<compile_context>
chip_gen: v7x
topology: tpu7x:2x2x1
jax: 0.10.2.dev20260603
libtpu: 0.0.44.dev20260713+nightly
codegen_flags: <defaults>
</compile_context>

<pallas_src>
import jax
import jax.numpy as jnp
from jax import lax
from jax.experimental import pallas as pl
from jax.experimental.pallas import tpu as pltpu
from jax.experimental.pallas import tpu_sc as plsc

SEQ = 2048
EMB = 32
VOCAB = 129
TW = 2 * SEQ
NB = 128
NSHIFT = 8
NC, NS = 2, 16
NW = NC * NS
ROWS_PER_W = SEQ // NW
ET, JT = EMB // 8, SEQ // NB

WIN0 = SEQ - 2 * NB
WINW = 3 * NB


def _t8_body(span_ref, tablet_ref, out_ref):
    m = pl.program_id(0)
    span = span_ref[0]
    vv = lax.broadcasted_iota(jnp.int32, (VOCAB, WINW), 0)
    kk = lax.broadcasted_iota(jnp.int32, (VOCAB, WINW), 1) + (
        WIN0 + m - (SEQ - 1))
    idx = jnp.clip(jnp.abs(kk), 0, span)
    oh = (vv == idx).astype(jnp.float32)
    t_win = jnp.dot(tablet_ref[...], oh, preferred_element_type=jnp.float32,
                    precision=jax.lax.Precision.HIGHEST)
    filler = t_win[:, :1]
    out_ref[0] = jnp.concatenate(
        [jnp.broadcast_to(filler, (EMB, WIN0)),
         t_win,
         jnp.broadcast_to(filler, (EMB, TW - WIN0 - WINW))],
        axis=1,
    )


def _build_t8(span, tablet):
    return pl.pallas_call(
        _t8_body,
        grid=(NSHIFT,),
        in_specs=[
            pl.BlockSpec(memory_space=pltpu.SMEM),
            pl.BlockSpec((EMB, VOCAB), lambda m: (0, 0)),
        ],
        out_specs=pl.BlockSpec((1, EMB, TW), lambda m: (m, 0, 0)),
        out_shape=jax.ShapeDtypeStruct((NSHIFT, EMB, TW), jnp.float32),
        compiler_params=pltpu.CompilerParams(
            dimension_semantics=("arbitrary",),
        ),
    )(span, tablet)


def _sc_body(t8_h, out_h, t8_sh, sem):
    c = lax.axis_index("c")
    s = lax.axis_index("s")

    pltpu.sync_copy(t8_h.at[s // 2, pl.ds(16 * (s % 2), 16)],
                    t8_sh.at[s // 2, pl.ds(16 * (s % 2), 16)])
    plsc.subcore_barrier()

    wid = s * NC + c

    def fire_plane(r, carry):
        i = wid * ROWS_PER_W + r
        start = (SEQ - 1) - i
        m = lax.rem(start, NSHIFT)
        base = pl.multiple_of(start - m, NSHIFT)
        for et in range(ET):
            for jt in range(JT):
                pltpu.async_copy(
                    t8_sh.at[m, pl.ds(8 * et, 8), pl.ds(base + NB * jt, NB)],
                    out_h.at[i, et, jt],
                    sem,
                )
        return carry

    lax.fori_loop(0, ROWS_PER_W, fire_plane, 0)

    def drain(r, carry):
        pltpu.make_async_copy(
            t8_sh.at[0, pl.ds(0, 8), pl.ds(0, NB)], out_h.at[0, 0, 0], sem
        ).wait()
        return carry

    lax.fori_loop(0, ROWS_PER_W * ET * JT, drain, 0)


_sc_call = pl.kernel(
    _sc_body,
    out_type=jax.ShapeDtypeStruct((SEQ, ET, JT, 8, NB), jnp.float32),
    mesh=plsc.VectorSubcoreMesh(core_axis_name="c", subcore_axis_name="s"),
    scratch_types=[
        pltpu.VMEM_SHARED((NSHIFT, EMB, TW), jnp.float32),
        pltpu.SemaphoreType.DMA,
    ],
    compiler_params=pltpu.CompilerParams(use_tc_tiling_on_sc=False),
)


def kernel(table, seq_len, layer_attention_span):
    span = jnp.asarray(layer_attention_span, jnp.int32).reshape(1)
    tablet = table.T
    t8 = _build_t8(span, tablet)
    out5 = _sc_call(t8)
    return jnp.transpose(out5, (0, 2, 4, 1, 3)).reshape(SEQ, SEQ, EMB)

# --- scband reference (transcript-rebuilt; emitter-appended) ---
"""Pipeline reference for scband-relation-embedding-88364657148483 (READ-ONLY COPY).

The authoritative reference and input builder live on the scoring server;
editing this copy changes nothing except your own understanding.
"""

import jax, jax.numpy as jnp
import numpy as np

EMBED_SIZE = 32
MAX_REL_POS = 128
VOCAB_1D = MAX_REL_POS + 1
SEQ_LEN = 2048


def setup_inputs(seed: int = 0) -> dict:
    key = jax.random.key(seed)
    # learned parameter: nn.Embedding(vocab_1d_size, embed_size) weight
    table = jax.random.normal(key, (VOCAB_1D, EMBED_SIZE), dtype=jnp.float32)
    return {
        "table": table,
        "seq_len": 2048,
        "layer_attention_span": 128,
    }


def reference(table, seq_len, layer_attention_span):
    # range_vec = torch.arange(seq_len)
    seq_len = jnp.asarray(seq_len, dtype=jnp.int32)
    range_vec = jnp.arange(SEQ_LEN, dtype=jnp.int32) + (seq_len - seq_len)
    # relative_1d_dist_mat = |range[None,:] - range[:,None]|
    relative_1d_dist_mat = jnp.abs(range_vec[None, :] - range_vec[:, None])
    # clamp to [0, layer_attention_span]
    clipped = jnp.clip(relative_1d_dist_mat, 0, layer_attention_span)
    # embedding lookup -> [seq_len, seq_len, embed_size]
    x = jnp.take(table, clipped, axis=0)
    return x

if __name__ == "__main__":
    import jax
    _d = setup_inputs()
    print(jax.jit(kernel)(*tuple(_d.values())))

</pallas_src>

<mosaic_0001>
#map = affine_map<(d0, d1) -> (0, 0, 0)>
#map1 = affine_map<(d0, d1) -> (0, 0, 0, 0, 0)>
module attributes {stable_mosaic.version = 14 : i64} {
  func.func @_sc_body(%arg0: i32, %arg1: i32, %arg2: memref<8x32x4096xf32, #tpu.memory_space<hbm>>, %arg3: memref<2048x4x16x8x128xf32, #tpu.memory_space<hbm>>, %arg4: memref<8x32x4096xf32, #tpu.memory_space<vmem_shared>>, %arg5: memref<!tpu.dma_semaphore, #tpu.memory_space<semaphore_mem>>) attributes {dimension_semantics = [#tpu.dimension_semantics<core_parallel>, #tpu.dimension_semantics<subcore_parallel>], iteration_bounds = array<i64: 2, 16>, scalar_prefetch = 0 : i64, scratch_operands = 2 : i64, tpu.core_type = #tpu.core_type<sc_vector_subcore>, window_params = [{transform_indices = #map}, {transform_indices = #map1}]} {
    %jit3A = arith.constant 2 : i32
    %div3A = arith.divsi %arg1, %jit3A : i32
    %sign3A = arith.constant 0 : i32
    %sign3A_0 = arith.cmpi sgt, %arg1, %sign3A : i32
    %sign3A_1 = arith.extui %sign3A_0 : i1 to i32
    %sign3A_2 = arith.constant 0 : i32
    %sign3A_3 = arith.cmpi slt, %arg1, %sign3A_2 : i32
    %sign3A_4 = arith.extui %sign3A_3 : i1 to i32
    %sign3A_5 = arith.subi %sign3A_1, %sign3A_4 : i32
    %sign3A_6 = arith.constant 0 : i32
    %sign3A_7 = arith.cmpi sgt, %jit3A, %sign3A_6 : i32
    %sign3A_8 = arith.extui %sign3A_7 : i1 to i32
    %sign3A_9 = arith.constant 0 : i32
    %sign3A_10 = arith.cmpi slt, %jit3A, %sign3A_9 : i32
    %sign3A_11 = arith.extui %sign3A_10 : i1 to i32
    %sign3A_12 = arith.subi %sign3A_8, %sign3A_11 : i32
    %ne3A = arith.cmpi ne, %sign3A_5, %sign3A_12 : i32
    %rem3A = arith.remsi %arg1, %jit3A : i32
    %ne3A_13 = arith.constant 0 : i32
    %ne3A_14 = arith.cmpi ne, %rem3A, %ne3A_13 : i32
    %and3A = arith.andi %ne3A, %ne3A_14 : i1
    %sub3A = arith.constant 1 : i32
    %sub3A_15 = arith.subi %div3A, %sub3A : i32
    %select_n3A = arith.select %and3A, %sub3A_15, %div3A : i32
    %jit3A_16 = arith.constant 2 : i32
    %eq3A = arith.constant 0 : i32
    %eq3A_17 = arith.cmpi eq, %jit3A_16, %eq3A : i32
    %jit3A_18 = arith.constant 1 : i32
    %select_n3A_19 = arith.select %eq3A_17, %jit3A_18, %jit3A_16 : i32
    %rem3A_20 = arith.remsi %arg1, %select_n3A_19 : i32
    %ne3A_21 = arith.constant 0 : i32
    %ne3A_22 = arith.cmpi ne, %rem3A_20, %ne3A_21 : i32
    %lt3A = arith.constant 0 : i32
    %lt3A_23 = arith.cmpi slt, %rem3A_20, %lt3A : i32
    %lt3A_24 = arith.constant 0 : i32
    %lt3A_25 = arith.cmpi slt, %select_n3A_19, %lt3A_24 : i32
    %ne3A_26 = arith.xori %lt3A_23, %lt3A_25 : i1
    %and3A_27 = arith.andi %ne3A_26, %ne3A_22 : i1
    %add3A = arith.addi %rem3A_20, %select_n3A_19 : i32
    %select_n3A_28 = arith.select %and3A_27, %add3A, %rem3A_20 : i32
    %mul3A = arith.constant 16 : i32
    %mul3A_29 = arith.muli %mul3A, %select_n3A_28 : i32
    %jit3A_30 = arith.constant 2 : i32
    %div3A_31 = arith.divsi %arg1, %jit3A_30 : i32
    %sign3A_32 = arith.constant 0 : i32
    %sign3A_33 = arith.cmpi sgt, %arg1, %sign3A_32 : i32
    %sign3A_34 = arith.extui %sign3A_33 : i1 to i32
    %sign3A_35 = arith.constant 0 : i32
    %sign3A_36 = arith.cmpi slt, %arg1, %sign3A_35 : i32
    %sign3A_37 = arith.extui %sign3A_36 : i1 to i32
    %sign3A_38 = arith.subi %sign3A_34, %sign3A_37 : i32
    %sign3A_39 = arith.constant 0 : i32
    %sign3A_40 = arith.cmpi sgt, %jit3A_30, %sign3A_39 : i32
    %sign3A_41 = arith.extui %sign3A_40 : i1 to i32
    %sign3A_42 = arith.constant 0 : i32
    %sign3A_43 = arith.cmpi slt, %jit3A_30, %sign3A_42 : i32
    %sign3A_44 = arith.extui %sign3A_43 : i1 to i32
    %sign3A_45 = arith.subi %sign3A_41, %sign3A_44 : i32
    %ne3A_46 = arith.cmpi ne, %sign3A_38, %sign3A_45 : i32
    %rem3A_47 = arith.remsi %arg1, %jit3A_30 : i32
    %ne3A_48 = arith.constant 0 : i32
    %ne3A_49 = arith.cmpi ne, %rem3A_47, %ne3A_48 : i32
    %and3A_50 = arith.andi %ne3A_46, %ne3A_49 : i1
    %sub3A_51 = arith.constant 1 : i32
    %sub3A_52 = arith.subi %div3A_31, %sub3A_51 : i32
    %select_n3A_53 = arith.select %and3A_50, %sub3A_52, %div3A_31 : i32
    %jit3A_54 = arith.constant 2 : i32
    %eq3A_55 = arith.constant 0 : i32
    %eq3A_56 = arith.cmpi eq, %jit3A_54, %eq3A_55 : i32
    %jit3A_57 = arith.constant 1 : i32
    %select_n3A_58 = arith.select %eq3A_56, %jit3A_57, %jit3A_54 : i32
    %rem3A_59 = arith.remsi %arg1, %select_n3A_58 : i32
    %ne3A_60 = arith.constant 0 : i32
    %ne3A_61 = arith.cmpi ne, %rem3A_59, %ne3A_60 : i32
    %lt3A_62 = arith.constant 0 : i32
    %lt3A_63 = arith.cmpi slt, %rem3A_59, %lt3A_62 : i32
    %lt3A_64 = arith.constant 0 : i32
    %lt3A_65 = arith.cmpi slt, %select_n3A_58, %lt3A_64 : i32
    %ne3A_66 = arith.xori %lt3A_63, %lt3A_65 : i1
    %and3A_67 = arith.andi %ne3A_66, %ne3A_61 : i1
    %add3A_68 = arith.addi %rem3A_59, %select_n3A_58 : i32
    %select_n3A_69 = arith.select %and3A_67, %add3A_68, %rem3A_59 : i32
    %mul3A_70 = arith.constant 16 : i32
    %mul3A_71 = arith.muli %mul3A_70, %select_n3A_69 : i32
    "tpu.region"() ({
      %run_scoped3A = tpu.sem_alloc : memref<!tpu.dma_semaphore, #tpu.memory_space<semaphore_mem>>
      %dma_start3A = arith.constant 0 : i32
      %dma_start3A_86 = tpu.memref_slice %arg4[%select_n3A_53, %mul3A_71, %dma_start3A] : memref<8x32x4096xf32, #tpu.memory_space<vmem_shared>> -> memref<1x16x4096xf32, #tpu.memory_space<vmem_shared>>
      %dma_start3A_87 = tpu.memref_squeeze %dma_start3A_86 : memref<1x16x4096xf32, #tpu.memory_space<vmem_shared>> -> memref<16x4096xf32, #tpu.memory_space<vmem_shared>>
      %dma_start3A_88 = arith.constant 0 : i32
      %dma_start3A_89 = tpu.memref_slice %arg2[%select_n3A, %mul3A_29, %dma_start3A_88] : memref<8x32x4096xf32, #tpu.memory_space<hbm>> -> memref<1x16x4096xf32, #tpu.memory_space<hbm>>
      %dma_start3A_90 = tpu.memref_squeeze %dma_start3A_89 : memref<1x16x4096xf32, #tpu.memory_space<hbm>> -> memref<16x4096xf32, #tpu.memory_space<hbm>>
      tpu.enqueue_dma source(%dma_start3A_90 : memref<16x4096xf32, #tpu.memory_space<hbm>>) target(%dma_start3A_87 : memref<16x4096xf32, #tpu.memory_space<vmem_shared>>) target_semaphore(%run_scoped3A : memref<!tpu.dma_semaphore, #tpu.memory_space<semaphore_mem>>)
      %dma_wait3A = arith.constant 0 : i32
      %dma_wait3A_91 = tpu.memref_slice %arg4[%select_n3A_53, %mul3A_71, %dma_wait3A] : memref<8x32x4096xf32, #tpu.memory_space<vmem_shared>> -> memref<1x16x4096xf32, #tpu.memory_space<vmem_shared>>
      %dma_wait3A_92 = tpu.memref_squeeze %dma_wait3A_91 : memref<1x16x4096xf32, #tpu.memory_space<vmem_shared>> -> memref<16x4096xf32, #tpu.memory_space<vmem_shared>>
      %dma_wait3A_93 = arith.constant 0 : i32
      %dma_wait3A_94 = tpu.memref_slice %arg2[%select_n3A, %mul3A_29, %dma_wait3A_93] : memref<8x32x4096xf32, #tpu.memory_space<hbm>> -> memref<1x16x4096xf32, #tpu.memory_space<hbm>>
      %dma_wait3A_95 = tpu.memref_squeeze %dma_wait3A_94 : memref<1x16x4096xf32, #tpu.memory_space<hbm>> -> memref<16x4096xf32, #tpu.memory_space<hbm>>
      tpu.wait_dma2 semaphore(%run_scoped3A : memref<!tpu.dma_semaphore, #tpu.memory_space<semaphore_mem>>) src(%dma_wait3A_95 : memref<16x4096xf32, #tpu.memory_space<hbm>>) dst(%dma_wait3A_92 : memref<16x4096xf32, #tpu.memory_space<vmem_shared>>)
      tpu.yield
    }) : () -> ()
    %barrier3A = arith.constant 0 : index
    tpu.barrier barrier_id(%barrier3A)
    %mul3A_72 = arith.constant 2 : i32
    %mul3A_73 = arith.muli %arg1, %mul3A_72 : i32
    %add3A_74 = arith.addi %mul3A_73, %arg0 : i32
    %scan3A = arith.constant 0 : i32
    %scan3A_75 = arith.constant 0 : i32
    %scan3A_76 = arith.constant 64 : i32
    %scan3A_77 = arith.addi %scan3A_75, %scan3A_76 : i32
    %scan3A_78 = arith.constant 1 : i32
    scf.for %scan3A_86 = %scan3A_75 to %scan3A_77 step %scan3A_78  : i32 {
      %mul3A_87 = arith.constant 64 : i32
      %mul3A_88 = arith.muli %add3A_74, %mul3A_87 : i32
      %add3A_89 = arith.addi %mul3A_88, %scan3A_86 : i32
      %sub3A_90 = arith.constant 2047 : i32
      %sub3A_91 = arith.subi %sub3A_90, %add3A_89 : i32
      %rem3A_92 = arith.constant 8 : i32
      %rem3A_93 = arith.remsi %sub3A_91, %rem3A_92 : i32
      %sub3A_94 = arith.subi %sub3A_91, %rem3A_93 : i32
      %multiple_of3A = tpu.assume_multiple %sub3A_94, 8 : i32
      %add3A_95 = arith.constant 0 : i32
      %add3A_96 = arith.addi %multiple_of3A, %add3A_95 : i32
      %dma_start3A = arith.constant 0 : i32
      %dma_start3A_97 = arith.constant 0 : i32
      %dma_start3A_98 = arith.constant 0 : i32
      %dma_start3A_99 = arith.constant 0 : i32
      %dma_start3A_100 = tpu.memref_slice %arg3[%add3A_89, %dma_start3A, %dma_start3A_97, %dma_start3A_98, %dma_start3A_99] : memref<2048x4x16x8x128xf32, #tpu.memory_space<hbm>> -> memref<1x1x1x8x128xf32, #tpu.memory_space<hbm>>
      %dma_start3A_101 = tpu.memref_squeeze %dma_start3A_100 : memref<1x1x1x8x128xf32, #tpu.memory_space<hbm>> -> memref<8x128xf32, #tpu.memory_space<hbm>>
      %dma_start3A_102 = arith.constant 0 : i32
      %dma_start3A_103 = tpu.memref_slice %arg4[%rem3A_93, %dma_start3A_102, %add3A_96] : memref<8x32x4096xf32, #tpu.memory_space<vmem_shared>> -> memref<1x8x128xf32, #tpu.memory_space<vmem_shared>>
      %dma_start3A_104 = tpu.memref_squeeze %dma_start3A_103 : memref<1x8x128xf32, #tpu.memory_space<vmem_shared>> -> memref<8x128xf32, #tpu.memory_space<vmem_shared>>
      tpu.enqueue_dma source(%dma_start3A_104 : memref<8x128xf32, #tpu.memory_space<vmem_shared>>) target(%dma_start3A_101 : memref<8x128xf32, #tpu.memory_space<hbm>>) target_semaphore(%arg5 : memref<!tpu.dma_semaphore, #tpu.memory_space<semaphore_mem>>)
      %add3A_105 = arith.constant 128 : i32
      %add3A_106 = arith.addi %multiple_of3A, %add3A_105 : i32
      %dma_start3A_107 = arith.constant 0 : i32
      %dma_start3A_108 = arith.constant 1 : i32
      %dma_start3A_109 = arith.constant 0 : i32
      %dma_start3A_110 = arith.constant 0 : i32
      %dma_start3A_111 = tpu.memref_slice %arg3[%add3A_89, %dma_start3A_107, %dma_start3A_108, %dma_start3A_109, %dma_start3A_110] : memref<2048x4x16x8x128xf32, #tpu.memory_space<hbm>> -> memref<1x1x1x8x128xf32, #tpu.memory_space<hbm>>
      %dma_start3A_112 = tpu.memref_squeeze %dma_start3A_111 : memref<1x1x1x8x128xf32, #tpu.memory_space<hbm>> -> memref<8x128xf32, #tpu.memory_space<hbm>>
      %dma_start3A_113 = arith.constant 0 : i32
      %dma_start3A_114 = tpu.memref_slice %arg4[%rem3A_93, %dma_start3A_113, %add3A_106] : memref<8x32x4096xf32, #tpu.memory_space<vmem_shared>> -> memref<1x8x128xf32, #tpu.memory_space<vmem_shared>>
      %dma_start3A_115 = tpu.memref_squeeze %dma_start3A_114 : memref<1x8x128xf32, #tpu.memory_space<vmem_shared>> -> memref<8x128xf32, #tpu.memory_space<vmem_shared>>
      tpu.enqueue_dma source(%dma_start3A_115 : memref<8x128xf32, #tpu.memory_space<vmem_shared>>) target(%dma_start3A_112 : memref<8x128xf32, #tpu.memory_space<hbm>>) target_semaphore(%arg5 : memref<!tpu.dma_semaphore, #tpu.memory_space<semaphore_mem>>)
      %add3A_116 = arith.constant 256 : i32
      %add3A_117 = arith.addi %multiple_of3A, %add3A_116 : i32
      %dma_start3A_118 = arith.constant 0 : i32
      %dma_start3A_119 = arith.constant 2 : i32
      %dma_start3A_120 = arith.constant 0 : i32
      %dma_start3A_121 = arith.constant 0 : i32
      %dma_start3A_122 = tpu.memref_slice %arg3[%add3A_89, %dma_start3A_118, %dma_start3A_119, %dma_start3A_120, %dma_start3A_121] : memref<2048x4x16x8x128xf32, #tpu.memory_space<hbm>> -> memref<1x1x1x8x128xf32, #tpu.memory_space<hbm>>
      %dma_start3A_123 = tpu.memref_squeeze %dma_start3A_122 : memref<1x1x1x8x128xf32, #tpu.memory_space<hbm>> -> memref<8x128xf32, #tpu.memory_space<hbm>>
      %dma_start3A_124 = arith.constant 0 : i32
      %dma_start3A_125 = tpu.memref_slice %arg4[%rem3A_93, %dma_start3A_124, %add3A_117] : memref<8x32x4096xf32, #tpu.memory_space<vmem_shared>> -> memref<1x8x128xf32, #tpu.memory_space<vmem_shared>>
      %dma_start3A_126 = tpu.memref_squeeze %dma_start3A_125 : memref<1x8x128xf32, #tpu.memory_space<vmem_shared>> -> memref<8x128xf32, #tpu.memory_space<vmem_shared>>
      tpu.enqueue_dma source(%dma_start3A_126 : memref<8x128xf32, #tpu.memory_space<vmem_shared>>) target(%dma_start3A_123 : memref<8x128xf32, #tpu.memory_space<hbm>>) target_semaphore(%arg5 : memref<!tpu.dma_semaphore, #tpu.memory_space<semaphore_mem>>)
      %add3A_127 = arith.constant 384 : i32
      %add3A_128 = arith.addi %multiple_of3A, %add3A_127 : i32
      %dma_start3A_129 = arith.constant 0 : i32
      %dma_start3A_130 = arith.constant 3 : i32
      %dma_start3A_131 = arith.constant 0 : i32
      %dma_start3A_132 = arith.constant 0 : i32
      %dma_start3A_133 = tpu.memref_slice %arg3[%add3A_89, %dma_start3A_129, %dma_start3A_130, %dma_start3A_131, %dma_start3A_132] : memref<2048x4x16x8x128xf32, #tpu.memory_space<hbm>> -> memref<1x1x1x8x128xf32, #tpu.memory_space<hbm>>
      %dma_start3A_134 = tpu.memref_squeeze %dma_start3A_133 : memref<1x1x1x8x128xf32, #tpu.memory_space<hbm>> -> memref<8x128xf32, #tpu.memory_space<hbm>>
      %dma_start3A_135 = arith.constant 0 : i32
      %dma_start3A_136 = tpu.memref_slice %arg4[%rem3A_93, %dma_start3A_135, %add3A_128] : memref<8x32x4096xf32, #tpu.memory_space<vmem_shared>> -> memref<1x8x128xf32, #tpu.memory_space<vmem_shared>>
      %dma_start3A_137 = tpu.memref_squeeze %dma_start3A_136 : memref<1x8x128xf32, #tpu.memory_space<vmem_shared>> -> memref<8x128xf32, #tpu.memory_space<vmem_shared>>
      tpu.enqueue_dma source(%dma_start3A_137 : memref<8x128xf32, #tpu.memory_space<vmem_shared>>) target(%dma_start3A_134 : memref<8x128xf32, #tpu.memory_space<hbm>>) target_semaphore(%arg5 : memref<!tpu.dma_semaphore, #tpu.memory_space<semaphore_mem>>)
      %add3A_138 = arith.constant 512 : i32
      %add3A_139 = arith.addi %multiple_of3A, %add3A_138 : i32
      %dma_start3A_140 = arith.constant 0 : i32
      %dma_start3A_141 = arith.constant 4 : i32
      %dma_start3A_142 = arith.constant 0 : i32
      %dma_start3A_143 = arith.constant 0 : i32
      %dma_start3A_144 = tpu.memref_slice %arg3[%add3A_89, %dma_start3A_140, %dma_start3A_141, %dma_start3A_142, %dma_start3A_143] : memref<2048x4x16x8x128xf32, #tpu.memory_space<hbm>> -> memref<1x1x1x8x128xf32, #tpu.memory_space<hbm>>
      %dma_start3A_145 = tpu.memref_squeeze %dma_start3A_144 : memref<1x1x1x8x128xf32, #tpu.memory_space<hbm>> -> memref<8x128xf32, #tpu.memory_space<hbm>>
      %dma_start3A_146 = arith.constant 0 : i32
      %dma_start3A_147 = tpu.memref_slice %arg4[%rem3A_93, %dma_start3A_146, %add3A_139] : memref<8x32x4096xf32, #tpu.memory_space<vmem_shared>> -> memref<1x8x128xf32, #tpu.memory_space<vmem_shared>>
      %dma_start3A_148 = tpu.memref_squeeze %dma_start3A_147 : memref<1x8x128xf32, #tpu.memory_space<vmem_shared>> -> memref<8x128xf32, #tpu.memory_space<vmem_shared>>
      tpu.enqueue_dma source(%dma_start3A_148 : memref<8x128xf32, #tpu.memory_space<vmem_shared>>) target(%dma_start3A_145 : memref<8x128xf32, #tpu.memory_space<hbm>>) target_semaphore(%arg5 : memref<!tpu.dma_semaphore, #tpu.memory_space<semaphore_mem>>)
      %add3A_149 = arith.constant 640 : i32
      %add3A_150 = arith.addi %multiple_of3A, %add3A_149 : i32
      %dma_start3A_151 = arith.constant 0 : i32
      %dma_start3A_152 = arith.constant 5 : i32
      %dma_start3A_153 = arith.constant 0 : i32
      %dma_start3A_154 = arith.constant 0 : i32
      %dma_start3A_155 = tpu.memref_slice %arg3[%add3A_89, %dma_start3A_151, %dma_start3A_152, %dma_start3A_153, %dma_start3A_154] : memref<2048x4x16x8x128xf32, #tpu.memory_space<hbm>> -> memref<1x1x1x8x128xf32, #tpu.memory_space<hbm>>
      %dma_start3A_156 = tpu.memref_squeeze %dma_start3A_155 : memref<1x1x1x8x128xf32, #tpu.memory_space<hbm>> -> memref<8x128xf32, #tpu.memory_space<hbm>>
      %dma_start3A_157 = arith.constant 0 : i32
      %dma_start3A_158 = tpu.memref_slice %arg4[%rem3A_93, %dma_start3A_157, %add3A_150] : memref<8x32x4096xf32, #tpu.memory_space<vmem_shared>> -> memref<1x8x128xf32, #tpu.memory_space<vmem_shared>>
      %dma_start3A_159 = tpu.memref_squeeze %dma_start3A_158 : memref<1x8x128xf32, #tpu.memory_space<vmem_shared>> -> memref<8x128xf32, #tpu.memory_space<vmem_shared>>
      tpu.enqueue_dma source(%dma_start3A_159 : memref<8x128xf32, #tpu.memory_space<vmem_shared>>) target(%dma_start3A_156 : memref<8x128xf32, #tpu.memory_space<hbm>>) target_semaphore(%arg5 : memref<!tpu.dma_semaphore, #tpu.memory_space<semaphore_mem>>)
      %add3A_160 = arith.constant 768 : i32
      %add3A_161 = arith.addi %multiple_of3A, %add3A_160 : i32
      %dma_start3A_162 = arith.constant 0 : i32
      %dma_start3A_163 = arith.constant 6 : i32
      %dma_start3A_164 = arith.constant 0 : i32
      %dma_start3A_165 = arith.constant 0 : i32
      %dma_start3A_166 = tpu.memref_slice %arg3[%add3A_89, %dma_start3A_162, %dma_start3A_163, %dma_start3A_164, %dma_start3A_165] : memref<2048x4x16x8x128xf32, #tpu.memory_space<hbm>> -> memref<1x1x1x8x128xf32, #tpu.memory_space<hbm>>
      %dma_start3A_167 = tpu.memref_squeeze %dma_start3A_166 : memref<1x1x1x8x128xf32, #tpu.memory_space<hbm>> -> memref<8x128xf32, #tpu.memory_space<hbm>>
      %dma_start3A_168 = arith.constant 0 : i32
      %dma_start3A_169 = tpu.memref_slice %arg4[%rem3A_93, %dma_start3A_168, %add3A_161] : memref<8x32x4096xf32, #tpu.memory_space<vmem_shared>> -> memref<1x8x128xf32, #tpu.memory_space<vmem_shared>>
      %dma_start3A_170 = tpu.memref_squeeze %dma_start3A_169 : memref<1x8x128xf32, #tpu.memory_space<vmem_shared>> -> memref<8x128xf32, #tpu.memory_space<vmem_shared>>
      tpu.enqueue_dma source(%dma_start3A_170 : memref<8x128xf32, #tpu.memory_space<vmem_shared>>) target(%dma_start3A_167 : memref<8x128xf32, #tpu.memory_space<hbm>>) target_semaphore(%arg5 : memref<!tpu.dma_semaphore, #tpu.memory_space<semaphore_mem>>)
      %add3A_171 = arith.constant 896 : i32
      %add3A_172 = arith.addi %multiple_of3A, %add3A_171 : i32
      %dma_start3A_173 = arith.constant 0 : i32
      %dma_start3A_174 = arith.constant 7 : i32
      %dma_start3A_175 = arith.constant 0 : i32
      %dma_start3A_176 = arith.constant 0 : i32
      %dma_start3A_177 = tpu.memref_slice %arg3[%add3A_89, %dma_start3A_173, %dma_start3A_174, %dma_start3A_175, %dma_start3A_176] : memref<2048x4x16x8x128xf32, #tpu.memory_space<hbm>> -> memref<1x1x1x8x128xf32, #tpu.memory_space<hbm>>
      %dma_start3A_178 = tpu.memref_squeeze %dma_start3A_177 : memref<1x1x1x8x128xf32, #tpu.memory_space<hbm>> -> memref<8x128xf32, #tpu.memory_space<hbm>>
      %dma_start3A_179 = arith.constant 0 : i32
      %dma_start3A_180 = tpu.memref_slice %arg4[%rem3A_93, %dma_start3A_179, %add3A_172] : memref<8x32x4096xf32, #tpu.memory_space<vmem_shared>> -> memref<1x8x128xf32, #tpu.memory_space<vmem_shared>>
      %dma_start3A_181 = tpu.memref_squeeze %dma_start3A_180 : memref<1x8x128xf32, #tpu.memory_space<vmem_shared>> -> memref<8x128xf32, #tpu.memory_space<vmem_shared>>
      tpu.enqueue_dma source(%dma_start3A_181 : memref<8x128xf32, #tpu.memory_space<vmem_shared>>) target(%dma_start3A_178 : memref<8x128xf32, #tpu.memory_space<hbm>>) target_semaphore(%arg5 : memref<!tpu.dma_semaphore, #tpu.memory_space<semaphore_mem>>)
      %add3A_182 = arith.constant 1024 : i32
      %add3A_183 = arith.addi %multiple_of3A, %add3A_182 : i32
      %dma_start3A_184 = arith.constant 0 : i32
      %dma_start3A_185 = arith.constant 8 : i32
      %dma_start3A_186 = arith.constant 0 : i32
      %dma_start3A_187 = arith.constant 0 : i32
      %dma_start3A_188 = tpu.memref_slice %arg3[%add3A_89, %dma_start3A_184, %dma_start3A_185, %dma_start3A_186, %dma_start3A_187] : memref<2048x4x16x8x128xf32, #tpu.memory_space<hbm>> -> memref<1x1x1x8x128xf32, #tpu.memory_space<hbm>>
      %dma_start3A_189 = tpu.memref_squeeze %dma_start3A_188 : memref<1x1x1x8x128xf32, #tpu.memory_space<hbm>> -> memref<8x128xf32, #tpu.memory_space<hbm>>
      %dma_start3A_190 = arith.constant 0 : i32
      %dma_start3A_191 = tpu.memref_slice %arg4[%rem3A_93, %dma_start3A_190, %add3A_183] : memref<8x32x4096xf32, #tpu.memory_space<vmem_shared>> -> memref<1x8x128xf32, #tpu.memory_space<vmem_shared>>
      %dma_start3A_192 = tpu.memref_squeeze %dma_start3A_191 : memref<1x8x128xf32, #tpu.memory_space<vmem_shared>> -> memref<8x128xf32, #tpu.memory_space<vmem_shared>>
      tpu.enqueue_dma source(%dma_start3A_192 : memref<8x128xf32, #tpu.memory_space<vmem_shared>>) target(%dma_start3A_189 : memref<8x128xf32, #tpu.memory_space<hbm>>) target_semaphore(%arg5 : memref<!tpu.dma_semaphore, #tpu.memory_space<semaphore_mem>>)
      %add3A_193 = arith.constant 1152 : i32
      %add3A_194 = arith.addi %multiple_of3A, %add3A_193 : i32
      %dma_start3A_195 = arith.constant 0 : i32
      %dma_start3A_196 = arith.constant 9 : i32
      %dma_start3A_197 = arith.constant 0 : i32
      %dma_start3A_198 = arith.constant 0 : i32
      %dma_start3A_199 = tpu.memref_slice %arg3[%add3A_89, %dma_start3A_195, %dma_start3A_196, %dma_start3A_197, %dma_start3A_198] : memref<2048x4x16x8x128xf32, #tpu.memory_space<hbm>> -> memref<1x1x1x8x128xf32, #tpu.memory_space<hbm>>
      %dma_start3A_200 = tpu.memref_squeeze %dma_start3A_199 : memref<1x1x1x8x128xf32, #tpu.memory_space<hbm>> -> memref<8x128xf32, #tpu.memory_space<hbm>>
      %dma_start3A_201 = arith.constant 0 : i32
      %dma_start3A_202 = tpu.memref_slice %arg4[%rem3A_93, %dma_start3A_201, %add3A_194] : memref<8x32x4096xf32, #tpu.memory_space<vmem_shared>> -> memref<1x8x128xf32, #tpu.memory_space<vmem_shared>>
      %dma_start3A_203 = tpu.memref_squeeze %dma_start3A_202 : memref<1x8x128xf32, #tpu.memory_space<vmem_shared>> -> memref<8x128xf32, #tpu.memory_space<vmem_shared>>
      tpu.enqueue_dma source(%dma_start3A_203 : memref<8x128xf32, #tpu.memory_space<vmem_shared>>) target(%dma_start3A_200 : memref<8x128xf32, #tpu.memory_space<hbm>>) target_semaphore(%arg5 : memref<!tpu.dma_semaphore, #tpu.memory_space<semaphore_mem>>)
      %add3A_204 = arith.constant 1280 : i32
      %add3A_205 = arith.addi %multiple_of3A, %add3A_204 : i32
      %dma_start3A_206 = arith.constant 0 : i32
      %dma_start3A_207 = arith.constant 10 : i32
      %dma_start3A_208 = arith.constant 0 : i32
      %dma_start3A_209 = arith.constant 0 : i32
      %dma_start3A_210 = tpu.memref_slice %arg3[%add3A_89, %dma_start3A_206, %dma_start3A_207, %dma_start3A_208, %dma_start3A_209] : memref<2048x4x16x8x128xf32, #tpu.memory_space<hbm>> -> memref<1x1x1x8x128xf32, #tpu.memory_space<hbm>>
      %dma_start3A_211 = tpu.memref_squeeze %dma_start3A_210 : memref<1x1x1x8x128xf32, #tpu.memory_space<hbm>> -> memref<8x128xf32, #tpu.memory_space<hbm>>
      %dma_start3A_212 = arith.constant 0 : i32
      %dma_start3A_213 = tpu.memref_slice %arg4[%rem3A_93, %dma_start3A_212, %add3A_205] : memref<8x32x4096xf32, #tpu.memory_space<vmem_shared>> -> memref<1x8x128xf32, #tpu.memory_space<vmem_shared>>
      %dma_start3A_214 = tpu.memref_squeeze %dma_start3A_213 : memref<1x8x128xf32, #tpu.memory_space<vmem_shared>> -> memref<8x128xf32, #tpu.memory_space<vmem_shared>>
      tpu.enqueue_dma source(%dma_start3A_214 : memref<8x128xf32, #tpu.memory_space<vmem_shared>>) target(%dma_start3A_211 : memref<8x128xf32, #tpu.memory_space<hbm>>) target_semaphore(%arg5 : memref<!tpu.dma_semaphore, #tpu.memory_space<semaphore_mem>>)
      %add3A_215 = arith.constant 1408 : i32
      %add3A_216 = arith.addi %multiple_of3A, %add3A_215 : i32
      %dma_start3A_217 = arith.constant 0 : i32
      %dma_start3A_218 = arith.constant 11 : i32
      %dma_start3A_219 = arith.constant 0 : i32
      %dma_start3A_220 = arith.constant 0 : i32
      %dma_start3A_221 = tpu.memref_slice %arg3[%add3A_89, %dma_start3A_217, %dma_start3A_218, %dma_start3A_219, %dma_start3A_220] : memref<2048x4x16x8x128xf32, #tpu.memory_space<hbm>> -> memref<1x1x1x8x128xf32, #tpu.memory_space<hbm>>
      %dma_start3A_222 = tpu.memref_squeeze %dma_start3A_221 : memref<1x1x1x8x128xf32, #tpu.memory_space<hbm>> -> memref<8x128xf32, #tpu.memory_space<hbm>>
      %dma_start3A_223 = arith.constant 0 : i32
      %dma_start3A_224 = tpu.memref_slice %arg4[%rem3A_93, %dma_start3A_223, %add3A_216] : memref<8x32x4096xf32, #tpu.memory_space<vmem_shared>> -> memref<1x8x128xf32, #tpu.memory_space<vmem_shared>>
      %dma_start3A_225 = tpu.memref_squeeze %dma_start3A_224 : memref<1x8x128xf32, #tpu.memory_space<vmem_shared>> -> memref<8x128xf32, #tpu.memory_space<vmem_shared>>
      tpu.enqueue_dma source(%dma_start3A_225 : memref<8x128xf32, #tpu.memory_space<vmem_shared>>) target(%dma_start3A_222 : memref<8x128xf32, #tpu.memory_space<hbm>>) target_semaphore(%arg5 : memref<!tpu.dma_semaphore, #tpu.memory_space<semaphore_mem>>)
      %add3A_226 = arith.constant 1536 : i32
      %add3A_227 = arith.addi %multiple_of3A, %add3A_226 : i32
      %dma_start3A_228 = arith.constant 0 : i32
      %dma_start3A_229 = arith.constant 12 : i32
      %dma_start3A_230 = arith.constant 0 : i32
      %dma_start3A_231 = arith.constant 0 : i32
      %dma_start3A_232 = tpu.memref_slice %arg3[%add3A_89, %dma_start3A_228, %dma_start3A_229, %dma_start3A_230, %dma_start3A_231] : memref<2048x4x16x8x128xf32, #tpu.memory_space<hbm>> -> memref<1x1x1x8x128xf32, #tpu.memory_space<hbm>>
      %dma_start3A_233 = tpu.memref_squeeze %dma_start3A_232 : memref<1x1x1x8x128xf32, #tpu.memory_space<hbm>> -> memref<8x128xf32, #tpu.memory_space<hbm>>
      %dma_start3A_234 = arith.constant 0 : i32
      %dma_start3A_235 = tpu.memref_slice %arg4[%rem3A_93, %dma_start3A_234, %add3A_227] : memref<8x32x4096xf32, #tpu.memory_space<vmem_shared>> -> memref<1x8x128xf32, #tpu.memory_space<vmem_shared>>
      %dma_start3A_236 = tpu.memref_squeeze %dma_start3A_235 : memref<1x8x128xf32, #tpu.memory_space<vmem_shared>> -> memref<8x128xf32, #tpu.memory_space<vmem_shared>>
      tpu.enqueue_dma source(%dma_start3A_236 : memref<8x128xf32, #tpu.memory_space<vmem_shared>>) target(%dma_start3A_233 : memref<8x128xf32, #tpu.memory_space<hbm>>) target_semaphore(%arg5 : memref<!tpu.dma_semaphore, #tpu.memory_space<semaphore_mem>>)
      %add3A_237 = arith.constant 1664 : i32
      %add3A_238 = arith.addi %multiple_of3A, %add3A_237 : i32
      %dma_start3A_239 = arith.constant 0 : i32
      %dma_start3A_240 = arith.constant 13 : i32
      %dma_start3A_241 = arith.constant 0 : i32
      %dma_start3A_242 = arith.constant 0 : i32
      %dma_start3A_243 = tpu.memref_slice %arg3[%add3A_89, %dma_start3A_239, %dma_start3A_240, %dma_start3A_241, %dma_start3A_242] : memref<2048x4x16x8x128xf32, #tpu.memory_space<hbm>> -> memref<1x1x1x8x128xf32, #tpu.memory_space<hbm>>
      %dma_start3A_244 = tpu.memref_squeeze %dma_start3A_243 : memref<1x1x1x8x128xf32, #tpu.memory_space<hbm>> -> memref<8x128xf32, #tpu.memory_space<hbm>>
      %dma_start3A_245 = arith.constant 0 : i32
      %dma_start3A_246 = tpu.memref_slice %arg4[%rem3A_93, %dma_start3A_245, %add3A_238] : memref<8x32x4096xf32, #tpu.memory_space<vmem_shared>> -> memref<1x8x128xf32, #tpu.memory_space<vmem_shared>>
      %dma_start3A_247 = tpu.memref_squeeze %dma_start3A_246 : memref<1x8x128xf32, #tpu.memory_space<vmem_shared>> -> memref<8x128xf32, #tpu.memory_space<vmem_shared>>
      tpu.enqueue_dma source(%dma_start3A_247 : memref<8x128xf32, #tpu.memory_space<vmem_shared>>) target(%dma_start3A_244 : memref<8x128xf32, #tpu.memory_space<hbm>>) target_semaphore(%arg5 : memref<!tpu.dma_semaphore, #tpu.memory_space<semaphore_mem>>)
      %add3A_248 = arith.constant 1792 : i32
      %add3A_249 = arith.addi %multiple_of3A, %add3A_248 : i32
      %dma_start3A_250 = arith.constant 0 : i32
      %dma_start3A_251 = arith.constant 14 : i32
      %dma_start3A_252 = arith.constant 0 : i32
      %dma_start3A_253 = arith.constant 0 : i32
      %dma_start3A_254 = tpu.memref_slice %arg3[%add3A_89, %dma_start3A_250, %dma_start3A_251, %dma_start3A_252, %dma_start3A_253] : memref<2048x4x16x8x128xf32, #tpu.memory_space<hbm>> -> memref<1x1x1x8x128xf32, #tpu.memory_space<hbm>>
      %dma_start3A_255 = tpu.memref_squeeze %dma_start3A_254 : memref<1x1x1x8x128xf32, #tpu.memory_space<hbm>> -> memref<8x128xf32, #tpu.memory_space<hbm>>
      %dma_start3A_256 = arith.constant 0 : i32
      %dma_start3A_257 = tpu.memref_slice %arg4[%rem3A_93, %dma_start3A_256, %add3A_249] : memref<8x32x4096xf32, #tpu.memory_space<vmem_shared>> -> memref<1x8x128xf32, #tpu.memory_space<vmem_shared>>
      %dma_start3A_258 = tpu.memref_squeeze %dma_start3A_257 : memref<1x8x128xf32, #tpu.memory_space<vmem_shared>> -> memref<8x128xf32, #tpu.memory_space<vmem_shared>>
      tpu.enqueue_dma source(%dma_start3A_258 : memref<8x128xf32, #tpu.memory_space<vmem_shared>>) target(%dma_start3A_255 : memref<8x128xf32, #tpu.memory_space<hbm>>) target_semaphore(%arg5 : memref<!tpu.dma_semaphore, #tpu.memory_space<semaphore_mem>>)
      %add3A_259 = arith.constant 1920 : i32
      %add3A_260 = arith.addi %multiple_of3A, %add3A_259 : i32
      %dma_start3A_261 = arith.constant 0 : i32
      %dma_start3A_262 = arith.constant 15 : i32
      %dma_start3A_263 = arith.constant 0 : i32
      %dma_start3A_264 = arith.constant 0 : i32
      %dma_start3A_265 = tpu.memref_slice %arg3[%add3A_89, %dma_start3A_261, %dma_start3A_262, %dma_start3A_263, %dma_start3A_264] : memref<2048x4x16x8x128xf32, #tpu.memory_space<hbm>> -> memref<1x1x1x8x128xf32, #tpu.memory_space<hbm>>
      %dma_start3A_266 = tpu.memref_squeeze %dma_start3A_265 : memref<1x1x1x8x128xf32, #tpu.memory_space<hbm>> -> memref<8x128xf32, #tpu.memory_space<hbm>>
      %dma_start3A_267 = arith.constant 0 : i32
      %dma_start3A_268 = tpu.memref_slice %arg4[%rem3A_93, %dma_start3A_267, %add3A_260] : memref<8x32x4096xf32, #tpu.memory_space<vmem_shared>> -> memref<1x8x128xf32, #tpu.memory_space<vmem_shared>>
      %dma_start3A_269 = tpu.memref_squeeze %dma_start3A_268 : memref<1x8x128xf32, #tpu.memory_space<vmem_shared>> -> memref<8x128xf32, #tpu.memory_space<vmem_shared>>
      tpu.enqueue_dma source(%dma_start3A_269 : memref<8x128xf32, #tpu.memory_space<vmem_shared>>) target(%dma_start3A_266 : memref<8x128xf32, #tpu.memory_space<hbm>>) target_semaphore(%arg5 : memref<!tpu.dma_semaphore, #tpu.memory_space<semaphore_mem>>)
      %add3A_270 = arith.constant 0 : i32
      %add3A_271 = arith.addi %multiple_of3A, %add3A_270 : i32
      %dma_start3A_272 = arith.constant 1 : i32
      %dma_start3A_273 = arith.constant 0 : i32
      %dma_start3A_274 = arith.constant 0 : i32
      %dma_start3A_275 = arith.constant 0 : i32
      %dma_start3A_276 = tpu.memref_slice %arg3[%add3A_89, %dma_start3A_272, %dma_start3A_273, %dma_start3A_274, %dma_start3A_275] : memref<2048x4x16x8x128xf32, #tpu.memory_space<hbm>> -> memref<1x1x1x8x128xf32, #tpu.memory_space<hbm>>
      %dma_start3A_277 = tpu.memref_squeeze %dma_start3A_276 : memref<1x1x1x8x128xf32, #tpu.memory_space<hbm>> -> memref<8x128xf32, #tpu.memory_space<hbm>>
      %dma_start3A_278 = arith.constant 8 : i32
      %dma_start3A_279 = tpu.memref_slice %arg4[%rem3A_93, %dma_start3A_278, %add3A_271] : memref<8x32x4096xf32, #tpu.memory_space<vmem_shared>> -> memref<1x8x128xf32, #tpu.memory_space<vmem_shared>>
      %dma_start3A_280 = tpu.memref_squeeze %dma_start3A_279 : memref<1x8x128xf32, #tpu.memory_space<vmem_shared>> -> memref<8x128xf32, #tpu.memory_space<vmem_shared>>
      tpu.enqueue_dma source(%dma_start3A_280 : memref<8x128xf32, #tpu.memory_space<vmem_shared>>) target(%dma_start3A_277 : memref<8x128xf32, #tpu.memory_space<hbm>>) target_semaphore(%arg5 : memref<!tpu.dma_semaphore, #tpu.memory_space<semaphore_mem>>)
      %add3A_281 = arith.constant 128 : i32
      %add3A_282 = arith.addi %multiple_of3A, %add3A_281 : i32
      %dma_start3A_283 = arith.constant 1 : i32
      %dma_start3A_284 = arith.constant 1 : i32
      %dma_start3A_285 = arith.constant 0 : i32
      %dma_start3A_286 = arith.constant 0 : i32
      %dma_start3A_287 = tpu.memref_slice %arg3[%add3A_89, %dma_start3A_283, %dma_start3A_284, %dma_start3A_285, %dma_start3A_286] : memref<2048x4x16x8x128xf32, #tpu.memory_space<hbm>> -> memref<1x1x1x8x128xf32, #tpu.memory_space<hbm>>
      %dma_start3A_288 = tpu.memref_squeeze %dma_start3A_287 : memref<1x1x1x8x128xf32, #tpu.memory_space<hbm>> -> memref<8x128xf32, #tpu.memory_space<hbm>>
      %dma_start3A_289 = arith.constant 8 : i32
      %dma_start3A_290 = tpu.memref_slice %arg4[%rem3A_93, %dma_start3A_289, %add3A_282] : memref<8x32x4096xf32, #tpu.memory_space<vmem_shared>> -> memref<1x8x128xf32, #tpu.memory_space<vmem_shared>>
      %dma_start3A_291 = tpu.memref_squeeze %dma_start3A_290 : memref<1x8x128xf32, #tpu.memory_space<vmem_shared>> -> memref<8x128xf32, #tpu.memory_space<vmem_shared>>
      tpu.enqueue_dma source(%dma_start3A_291 : memref<8x128xf32, #tpu.memory_space<vmem_shared>>) target(%dma_start3A_288 : memref<8x128xf32, #tpu.memory_space<hbm>>) target_semaphore(%arg5 : memref<!tpu.dma_semaphore, #tpu.memory_space<semaphore_mem>>)
      %add3A_292 = arith.constant 256 : i32
      %add3A_293 = arith.addi %multiple_of3A, %add3A_292 : i32
      %dma_start3A_294 = arith.constant 1 : i32
      %dma_start3A_295 = arith.constant 2 : i32
      %dma_start3A_296 = arith.constant 0 : i32
      %dma_start3A_297 = arith.constant 0 : i32
      %dma_start3A_298 = tpu.memref_slice %arg3[%add3A_89, %dma_start3A_294, %dma_start3A_295, %dma_start3A_296, %dma_start3A_297] : memref<2048x4x16x8x128xf32, #tpu.memory_space<hbm>> -> memref<1x1x1x8x128xf32, #tpu.memory_space<hbm>>
      %dma_start3A_299 = tpu.memref_squeeze %dma_start3A_298 : memref<1x1x1x8x128xf32, #tpu.memory_space<hbm>> -> memref<8x128xf32, #tpu.memory_space<hbm>>
      %dma_start3A_300 = arith.constant 8 : i32
      %dma_start3A_301 = tpu.memref_slice %arg4[%rem3A_93, %dma_start3A_300, %add3A_293] : memref<8x32x4096xf32, #tpu.memory_space<vmem_shared>> -> memref<1x8x128xf32, #tpu.memory_space<vmem_shared>>
      %dma_start3A_302 = tpu.memref_squeeze %dma_start3A_301 : memref<1x8x128xf32, #tpu.memory_space<vmem_shared>> -> memref<8x128xf32, #tpu.memory_space<vmem_shared>>
      tpu.enqueue_dma source(%dma_start3A_302 : memref<8x128xf32, #tpu.memory_space<vmem_shared>>) target(%dma_start3A_299 : memref<8x128xf32, #tpu.memory_space<hbm>>) target_semaphore(%arg5 : memref<!tpu.dma_semaphore, #tpu.memory_space<semaphore_mem>>)
      %add3A_303 = arith.constant 384 : i32
      %add3A_304 = arith.addi %multiple_of3A, %add3A_303 : i32
      %dma_start3A_305 = arith.constant 1 : i32
      %dma_start3A_306 = arith.constant 3 : i32
      %dma_start3A_307 = arith.constant 0 : i32
      %dma_start3A_308 = arith.constant 0 : i32
      %dma_start3A_309 = tpu.memref_slice %arg3[%add3A_89, %dma_start3A_305, %dma_start3A_306, %dma_start3A_307, %dma_start3A_308] : memref<2048x4x16x8x128xf32, #tpu.memory_space<hbm>> -> memref<1x1x1x8x128xf32, #tpu.memory_space<hbm>>
      %dma_start3A_310 = tpu.memref_squeeze %dma_start3A_309 : memref<1x1x1x8x128xf32, #tpu.memory_space<hbm>> -> memref<8x128xf32, #tpu.memory_space<hbm>>
      %dma_start3A_311 = arith.constant 8 : i32
      %dma_start3A_312 = tpu.memref_slice %arg4[%rem3A_93, %dma_start3A_311, %add3A_304] : memref<8x32x4096xf32, #tpu.memory_space<vmem_shared>> -> memref<1x8x128xf32, #tpu.memory_space<vmem_shared>>
      %dma_start3A_313 = tpu.memref_squeeze %dma_start3A_312 : memref<1x8x128xf32, #tpu.memory_space<vmem_shared>> -> memref<8x128xf32, #tpu.memory_space<vmem_shared>>
      tpu.enqueue_dma source(%dma_start3A_313 : memref<8x128xf32, #tpu.memory_space<vmem_shared>>) target(%dma_start3A_310 : memref<8x128xf32, #tpu.memory_space<hbm>>) target_semaphore(%arg5 : memref<!tpu.dma_semaphore, #tpu.memory_space<semaphore_mem>>)
      %add3A_314 = arith.constant 512 : i32
      %add3A_315 = arith.addi %multiple_of3A, %add3A_314 : i32
      %dma_start3A_316 = arith.constant 1 : i32
      %dma_start3A_317 = arith.constant 4 : i32
      %dma_start3A_318 = arith.constant 0 : i32
      %dma_start3A_319 = arith.constant 0 : i32
      %dma_start3A_320 = tpu.memref_slice %arg3[%add3A_89, %dma_start3A_316, %dma_start3A_317, %dma_start3A_318, %dma_start3A_319] : memref<2048x4x16x8x128xf32, #tpu.memory_space<hbm>> -> memref<1x1x1x8x128xf32, #tpu.memory_space<hbm>>
      %dma_start3A_321 = tpu.memref_squeeze %dma_start3A_320 : memref<1x1x1x8x128xf32, #tpu.memory_space<hbm>> -> memref<8x128xf32, #tpu.memory_space<hbm>>
      %dma_start3A_322 = arith.constant 8 : i32
      %dma_start3A_323 = tpu.memref_slice %arg4[%rem3A_93, %dma_start3A_322, %add3A_315] : memref<8x32x4096xf32, #tpu.memory_space<vmem_shared>> -> memref<1x8x128xf32, #tpu.memory_space<vmem_shared>>
      %dma_start3A_324 = tpu.memref_squeeze %dma_start3A_323 : memref<1x8x128xf32, #tpu.memory_space<vmem_shared>> -> memref<8x128xf32, #tpu.memory_space<vmem_shared>>
      tpu.enqueue_dma source(%dma_start3A_324 : memref<8x128xf32, #tpu.memory_space<vmem_shared>>) target(%dma_start3A_321 : memref<8x128xf32, #tpu.memory_space<hbm>>) target_semaphore(%arg5 : memref<!tpu.dma_semaphore, #tpu.memory_space<semaphore_mem>>)
      %add3A_325 = arith.constant 640 : i32
      %add3A_326 = arith.addi %multiple_of3A, %add3A_325 : i32
      %dma_start3A_327 = arith.constant 1 : i32
      %dma_start3A_328 = arith.constant 5 : i32
      %dma_start3A_329 = arith.constant 0 : i32
      %dma_start3A_330 = arith.constant 0 : i32
      %dma_start3A_331 = tpu.memref_slice %arg3[%add3A_89, %dma_start3A_327, %dma_start3A_328, %dma_start3A_329, %dma_start3A_330] : memref<2048x4x16x8x128xf32, #tpu.memory_space<hbm>> -> memref<1x1x1x8x128xf32, #tpu.memory_space<hbm>>
      %dma_start3A_332 = tpu.memref_squeeze %dma_start3A_331 : memref<1x1x1x8x128xf32, #tpu.memory_space<hbm>> -> memref<8x128xf32, #tpu.memory_space<hbm>>
      %dma_start3A_333 = arith.constant 8 : i32
      %dma_start3A_334 = tpu.memref_slice %arg4[%rem3A_93, %dma_start3A_333, %add3A_326] : memref<8x32x4096xf32, #tpu.memory_space<vmem_shared>> -> memref<1x8x128xf32, #tpu.memory_space<vmem_shared>>
      %dma_start3A_335 = tpu.memref_squeeze %dma_start3A_334 : memref<1x8x128xf32, #tpu.memory_space<vmem_shared>> -> memref<8x128xf32, #tpu.memory_space<vmem_shared>>
      tpu.enqueue_dma source(%dma_start3A_335 : memref<8x128xf32, #tpu.memory_space<vmem_shared>>) target(%dma_start3A_332 : memref<8x128xf32, #tpu.memory_space<hbm>>) target_semaphore(%arg5 : memref<!tpu.dma_semaphore, #tpu.memory_space<semaphore_mem>>)
      %add3A_336 = arith.constant 768 : i32
      %add3A_337 = arith.addi %multiple_of3A, %add3A_336 : i32
      %dma_start3A_338 = arith.constant 1 : i32
      %dma_start3A_339 = arith.constant 6 : i32
      %dma_start3A_340 = arith.constant 0 : i32
      %dma_start3A_341 = arith.constant 0 : i32
      %dma_start3A_342 = tpu.memref_slice %arg3[%add3A_89, %dma_start3A_338, %dma_start3A_339, %dma_start3A_340, %dma_start3A_341] : memref<2048x4x16x8x128xf32, #tpu.memory_space<hbm>> -> memref<1x1x1x8x128xf32, #tpu.memory_space<hbm>>
      %dma_start3A_343 = tpu.memref_squeeze %dma_start3A_342 : memref<1x1x1x8x128xf32, #tpu.memory_space<hbm>> -> memref<8x128xf32, #tpu.memory_space<hbm>>
      %dma_start3A_344 = arith.constant 8 : i32
      %dma_start3A_345 = tpu.memref_slice %arg4[%rem3A_93, %dma_start3A_344, %add3A_337] : memref<8x32x4096xf32, #tpu.memory_space<vmem_shared>> -> memref<1x8x128xf32, #tpu.memory_space<vmem_shared>>
      %dma_start3A_346 = tpu.memref_squeeze %dma_start3A_345 : memref<1x8x128xf32, #tpu.memory_space<vmem_shared>> -> memref<8x128xf32, #tpu.memory_space<vmem_shared>>
      tpu.enqueue_dma source(%dma_start3A_346 : memref<8x128xf32, #tpu.memory_space<vmem_shared>>) target(%dma_start3A_343 : memref<8x128xf32, #tpu.memory_space<hbm>>) target_semaphore(%arg5 : memref<!tpu.dma_semaphore, #tpu.memory_space<semaphore_mem>>)
      %add3A_347 = arith.constant 896 : i32
      %add3A_348 = arith.addi %multiple_of3A, %add3A_347 : i32
      %dma_start3A_349 = arith.constant 1 : i32
      %dma_start3A_350 = arith.constant 7 : i32
      %dma_start3A_351 = arith.constant 0 : i32
      %dma_start3A_352 = arith.constant 0 : i32
      %dma_start3A_353 = tpu.memref_slice %arg3[%add3A_89, %dma_start3A_349, %dma_start3A_350, %dma_start3A_351, %dma_start3A_352] : memref<2048x4x16x8x128xf32, #tpu.memory_space<hbm>> -> memref<1x1x1x8x128xf32, #tpu.memory_space<hbm>>
      %dma_start3A_354 = tpu.memref_squeeze %dma_start3A_353 : memref<1x1x1x8x128xf32, #tpu.memory_space<hbm>> -> memref<8x128xf32, #tpu.memory_space<hbm>>
      %dma_start3A_355 = arith.constant 8 : i32
      %dma_start3A_356 = tpu.memref_slice %arg4[%rem3A_93, %dma_start3A_355, %add3A_348] : memref<8x32x4096xf32, #tpu.memory_space<vmem_shared>> -> memref<1x8x128xf32, #tpu.memory_space<vmem_shared>>
      %dma_start3A_357 = tpu.memref_squeeze %dma_start3A_356 : memref<1x8x128xf32, #tpu.memory_space<vmem_shared>> -> memref<8x128xf32, #tpu.memory_space<vmem_shared>>
      tpu.enqueue_dma source(%dma_start3A_357 : memref<8x128xf32, #tpu.memory_space<vmem_shared>>) target(%dma_start3A_354 : memref<8x128xf32, #tpu.memory_space<hbm>>) target_semaphore(%arg5 : memref<!tpu.dma_semaphore, #tpu.memory_space<semaphore_mem>>)
      %add3A_358 = arith.constant 1024 : i32
      %add3A_359 = arith.addi %multiple_of3A, %add3A_358 : i32
      %dma_start3A_360 = arith.constant 1 : i32
      %dma_start3A_361 = arith.constant 8 : i32
      %dma_start3A_362 = arith.constant 0 : i32
      %dma_start3A_363 = arith.constant 0 : i32
      %dma_start3A_364 = tpu.memref_slice %arg3[%add3A_89, %dma_start3A_360, %dma_start3A_361, %dma_start3A_362, %dma_start3A_363] : memref<2048x4x16x8x128xf32, #tpu.memory_space<hbm>> -> memref<1x1x1x8x128xf32, #tpu.memory_space<hbm>>
      %dma_start3A_365 = tpu.memref_squeeze %dma_start3A_364 : memref<1x1x1x8x128xf32, #tpu.memory_space<hbm>> -> memref<8x128xf32, #tpu.memory_space<hbm>>
      %dma_start3A_366 = arith.constant 8 : i32
      %dma_start3A_367 = tpu.memref_slice %arg4[%rem3A_93, %dma_start3A_366, %add3A_359] : memref<8x32x4096xf32, #tpu.memory_space<vmem_shared>> -> memref<1x8x128xf32, #tpu.memory_space<vmem_shared>>
      %dma_start3A_368 = tpu.memref_squeeze %dma_start3A_367 : memref<1x8x128xf32, #tpu.memory_space<vmem_shared>> -> memref<8x128xf32, #tpu.memory_space<vmem_shared>>
      tpu.enqueue_dma source(%dma_start3A_368 : memref<8x128xf32, #tpu.memory_space<vmem_shared>>) target(%dma_start3A_365 : memref<8x128xf32, #tpu.memory_space<hbm>>) target_semaphore(%arg5 : memref<!tpu.dma_semaphore, #tpu.memory_space<semaphore_mem>>)
      %add3A_369 = arith.constant 1152 : i32
      %add3A_370 = arith.addi %multiple_of3A, %add3A_369 : i32
      %dma_start3A_371 = arith.constant 1 : i32
      %dma_start3A_372 = arith.constant 9 : i32
      %dma_start3A_373 = arith.constant 0 : i32
      %dma_start3A_374 = arith.constant 0 : i32
      %dma_start3A_375 = tpu.memref_slice %arg3[%add3A_89, %dma_start3A_371, %dma_start3A_372, %dma_start3A_373, %dma_start3A_374] : memref<2048x4x16x8x128xf32, #tpu.memory_space<hbm>> -> memref<1x1x1x8x128xf32, #tpu.memory_space<hbm>>
      %dma_start3A_376 = tpu.memref_squeeze %dma_start3A_375 : memref<1x1x1x8x128xf32, #tpu.memory_space<hbm>> -> memref<8x128xf32, #tpu.memory_space<hbm>>
      %dma_start3A_377 = arith.constant 8 : i32
      %dma_start3A_378 = tpu.memref_slice %arg4[%rem3A_93, %dma_start3A_377, %add3A_370] : memref<8x32x4096xf32, #tpu.memory_space<vmem_shared>> -> memref<1x8x128xf32, #tpu.memory_space<vmem_shared>>
      %dma_start3A_379 = tpu.memref_squeeze %dma_start3A_378 : memref<1x8x128xf32, #tpu.memory_space<vmem_shared>> -> memref<8x128xf32, #tpu.memory_space<vmem_shared>>
      tpu.enqueue_dma source(%dma_start3A_379 : memref<8x128xf32, #tpu.memory_space<vmem_shared>>) target(%dma_start3A_376 : memref<8x128xf32, #tpu.memory_space<hbm>>) target_semaphore(%arg5 : memref<!tpu.dma_semaphore, #tpu.memory_space<semaphore_mem>>)
      %add3A_380 = arith.constant 1280 : i32
      %add3A_381 = arith.addi %multiple_of3A, %add3A_380 : i32
      %dma_start3A_382 = arith.constant 1 : i32
      %dma_start3A_383 = arith.constant 10 : i32
      %dma_start3A_384 = arith.constant 0 : i32
      %dma_start3A_385 = arith.constant 0 : i32
      %dma_start3A_386 = tpu.memref_slice %arg3[%add3A_89, %dma_start3A_382, %dma_start3A_383, %dma_start3A_384, %dma_start3A_385] : memref<2048x4x16x8x128xf32, #tpu.memory_space<hbm>> -> memref<1x1x1x8x128xf32, #tpu.memory_space<hbm>>
      %dma_start3A_387 = tpu.memref_squeeze %dma_start3A_386 : memref<1x1x1x8x128xf32, #tpu.memory_space<hbm>> -> memref<8x128xf32, #tpu.memory_space<hbm>>
      %dma_start3A_388 = arith.constant 8 : i32
      %dma_start3A_389 = tpu.memref_slice %arg4[%rem3A_93, %dma_start3A_388, %add3A_381] : memref<8x32x4096xf32, #tpu.memory_space<vmem_shared>> -> memref<1x8x128xf32, #tpu.memory_space<vmem_shared>>
      %dma_start3A_390 = tpu.memref_squeeze %dma_start3A_389 : memref<1x8x128xf32, #tpu.memory_space<vmem_shared>> -> memref<8x128xf32, #tpu.memory_space<vmem_shared>>
      tpu.enqueue_dma source(%dma_start3A_390 : memref<8x128xf32, #tpu.memory_space<vmem_shared>>) target(%dma_start3A_387 : memref<8x128xf32, #tpu.memory_space<hbm>>) target_semaphore(%arg5 : memref<!tpu.dma_semaphore, #tpu.memory_space<semaphore_mem>>)
      %add3A_391 = arith.constant 1408 : i32
      %add3A_392 = arith.addi %multiple_of3A, %add3A_391 : i32
      %dma_start3A_393 = arith.constant 1 : i32
      %dma_start3A_394 = arith.constant 11 : i32
      %dma_start3A_395 = arith.constant 0 : i32
      %dma_start3A_396 = arith.constant 0 : i32
      %dma_start3A_397 = tpu.memref_slice %arg3[%add3A_89, %dma_start3A_393, %dma_start3A_394, %dma_start3A_395, %dma_start3A_396] : memref<2048x4x16x8x128xf32, #tpu.memory_space<hbm>> -> memref<1x1x1x8x128xf32, #tpu.memory_space<hbm>>
      %dma_start3A_398 = tpu.memref_squeeze %dma_start3A_397 : memref<1x1x1x8x128xf32, #tpu.memory_space<hbm>> -> memref<8x128xf32, #tpu.memory_space<hbm>>
      %dma_start3A_399 = arith.constant 8 : i32
      %dma_start3A_400 = tpu.memref_slice %arg4[%rem3A_93, %dma_start3A_399, %add3A_392] : memref<8x32x4096xf32, #tpu.memory_space<vmem_shared>> -> memref<1x8x128xf32, #tpu.memory_space<vmem_shared>>
      %dma_start3A_401 = tpu.memref_squeeze %dma_start3A_400 : memref<1x8x128xf32, #tpu.memory_space<vmem_shared>> -> memref<8x128xf32, #tpu.memory_space<vmem_shared>>
      tpu.enqueue_dma source(%dma_start3A_401 : memref<8x128xf32, #tpu.memory_space<vmem_shared>>) target(%dma_start3A_398 : memref<8x128xf32, #tpu.memory_space<hbm>>) target_semaphore(%arg5 : memref<!tpu.dma_semaphore, #tpu.memory_space<semaphore_mem>>)
      %add3A_402 = arith.constant 1536 : i32
      %add3A_403 = arith.addi %multiple_of3A, %add3A_402 : i32
      %dma_start3A_404 = arith.constant 1 : i32
      %dma_start3A_405 = arith.constant 12 : i32
      %dma_start3A_406 = arith.constant 0 : i32
      %dma_start3A_407 = arith.constant 0 : i32
      %dma_start3A_408 = tpu.memref_slice %arg3[%add3A_89, %dma_start3A_404, %dma_start3A_405, %dma_start3A_406, %dma_start3A_407] : memref<2048x4x16x8x128xf32, #tpu.memory_space<hbm>> -> memref<1x1x1x8x128xf32, #tpu.memory_space<hbm>>
      %dma_start3A_409 = tpu.memref_squeeze %dma_start3A_408 : memref<1x1x1x8x128xf32, #tpu.memory_space<hbm>> -> memref<8x128xf32, #tpu.memory_space<hbm>>
      %dma_start3A_410 = arith.constant 8 : i32
      %dma_start3A_411 = tpu.memref_slice %arg4[%rem3A_93, %dma_start3A_410, %add3A_403] : memref<8x32x4096xf32, #tpu.memory_space<vmem_shared>> -> memref<1x8x128xf32, #tpu.memory_space<vmem_shared>>
      %dma_start3A_412 = tpu.memref_squeeze %dma_start3A_411 : memref<1x8x128xf32, #tpu.memory_space<vmem_shared>> -> memref<8x128xf32, #tpu.memory_space<vmem_shared>>
      tpu.enqueue_dma source(%dma_start3A_412 : memref<8x128xf32, #tpu.memory_space<vmem_shared>>) target(%dma_start3A_409 : memref<8x128xf32, #tpu.memory_space<hbm>>) target_semaphore(%arg5 : memref<!tpu.dma_semaphore, #tpu.memory_space<semaphore_mem>>)
      %add3A_413 = arith.constant 1664 : i32
      %add3A_414 = arith.addi %multiple_of3A, %add3A_413 : i32
      %dma_start3A_415 = arith.constant 1 : i32
      %dma_start3A_416 = arith.constant 13 : i32
      %dma_start3A_417 = arith.constant 0 : i32
      %dma_start3A_418 = arith.constant 0 : i32
      %dma_start3A_419 = tpu.memref_slice %arg3[%add3A_89, %dma_start3A_415, %dma_start3A_416, %dma_start3A_417, %dma_start3A_418] : memref<2048x4x16x8x128xf32, #tpu.memory_space<hbm>> -> memref<1x1x1x8x128xf32, #tpu.memory_space<hbm>>
      %dma_start3A_420 = tpu.memref_squeeze %dma_start3A_419 : memref<1x1x1x8x128xf32, #tpu.memory_space<hbm>> -> memref<8x128xf32, #tpu.memory_space<hbm>>
      %dma_start3A_421 = arith.constant 8 : i32
      %dma_start3A_422 = tpu.memref_slice %arg4[%rem3A_93, %dma_start3A_421, %add3A_414] : memref<8x32x4096xf32, #tpu.memory_space<vmem_shared>> -> memref<1x8x128xf32, #tpu.memory_space<vmem_shared>>
      %dma_start3A_423 = tpu.memref_squeeze %dma_start3A_422 : memref<1x8x128xf32, #tpu.memory_space<vmem_shared>> -> memref<8x128xf32, #tpu.memory_space<vmem_shared>>
      tpu.enqueue_dma source(%dma_start3A_423 : memref<8x128xf32, #tpu.memory_space<vmem_shared>>) target(%dma_start3A_420 : memref<8x128xf32, #tpu.memory_space<hbm>>) target_semaphore(%arg5 : memref<!tpu.dma_semaphore, #tpu.memory_space<semaphore_mem>>)
      %add3A_424 = arith.constant 1792 : i32
      %add3A_425 = arith.addi %multiple_of3A, %add3A_424 : i32
      %dma_start3A_426 = arith.constant 1 : i32
      %dma_start3A_427 = arith.constant 14 : i32
      %dma_start3A_428 = arith.constant 0 : i32
      %dma_start3A_429 = arith.constant 0 : i32
      %dma_start3A_430 = tpu.memref_slice %arg3[%add3A_89, %dma_start3A_426, %dma_start3A_427, %dma_start3A_428, %dma_start3A_429] : memref<2048x4x16x8x128xf32, #tpu.memory_space<hbm>> -> memref<1x1x1x8x128xf32, #tpu.memory_space<hbm>>
      %dma_start3A_431 = tpu.memref_squeeze %dma_start3A_430 : memref<1x1x1x8x128xf32, #tpu.memory_space<hbm>> -> memref<8x128xf32, #tpu.memory_space<hbm>>
      %dma_start3A_432 = arith.constant 8 : i32
      %dma_start3A_433 = tpu.memref_slice %arg4[%rem3A_93, %dma_start3A_432, %add3A_425] : memref<8x32x4096xf32, #tpu.memory_space<vmem_shared>> -> memref<1x8x128xf32, #tpu.memory_space<vmem_shared>>
      %dma_start3A_434 = tpu.memref_squeeze %dma_start3A_433 : memref<1x8x128xf32, #tpu.memory_space<vmem_shared>> -> memref<8x128xf32, #tpu.memory_space<vmem_shared>>
      tpu.enqueue_dma source(%dma_start3A_434 : memref<8x128xf32, #tpu.memory_space<vmem_shared>>) target(%dma_start3A_431 : memref<8x128xf32, #tpu.memory_space<hbm>>) target_semaphore(%arg5 : memref<!tpu.dma_semaphore, #tpu.memory_space<semaphore_mem>>)
      %add3A_435 = arith.constant 1920 : i32
      %add3A_436 = arith.addi %multiple_of3A, %add3A_435 : i32
      %dma_start3A_437 = arith.constant 1 : i32
      %dma_start3A_438 = arith.constant 15 : i32
      %dma_start3A_439 = arith.constant 0 : i32
      %dma_start3A_440 = arith.constant 0 : i32
      %dma_start3A_441 = tpu.memref_slice %arg3[%add3A_89, %dma_start3A_437, %dma_start3A_438, %dma_start3A_439, %dma_start3A_440] : memref<2048x4x16x8x128xf32, #tpu.memory_space<hbm>> -> memref<1x1x1x8x128xf32, #tpu.memory_space<hbm>>
      %dma_start3A_442 = tpu.memref_squeeze %dma_start3A_441 : memref<1x1x1x8x128xf32, #tpu.memory_space<hbm>> -> memref<8x128xf32, #tpu.memory_space<hbm>>
      %dma_start3A_443 = arith.constant 8 : i32
      %dma_start3A_444 = tpu.memref_slice %arg4[%rem3A_93, %dma_start3A_443, %add3A_436] : memref<8x32x4096xf32, #tpu.memory_space<vmem_shared>> -> memref<1x8x128xf32, #tpu.memory_space<vmem_shared>>
      %dma_start3A_445 = tpu.memref_squeeze %dma_start3A_444 : memref<1x8x128xf32, #tpu.memory_space<vmem_shared>> -> memref<8x128xf32, #tpu.memory_space<vmem_shared>>
      tpu.enqueue_dma source(%dma_start3A_445 : memref<8x128xf32, #tpu.memory_space<vmem_shared>>) target(%dma_start3A_442 : memref<8x128xf32, #tpu.memory_space<hbm>>) target_semaphore(%arg5 : memref<!tpu.dma_semaphore, #tpu.memory_space<semaphore_mem>>)
      %add3A_446 = arith.constant 0 : i32
      %add3A_447 = arith.addi %multiple_of3A, %add3A_446 : i32
      %dma_start3A_448 = arith.constant 2 : i32
      %dma_start3A_449 = arith.constant 0 : i32
      %dma_start3A_450 = arith.constant 0 : i32
      %dma_start3A_451 = arith.constant 0 : i32
      %dma_start3A_452 = tpu.memref_slice %arg3[%add3A_89, %dma_start3A_448, %dma_start3A_449, %dma_start3A_450, %dma_start3A_451] : memref<2048x4x16x8x128xf32, #tpu.memory_space<hbm>> -> memref<1x1x1x8x128xf32, #tpu.memory_space<hbm>>
      %dma_start3A_453 = tpu.memref_squeeze %dma_start3A_452 : memref<1x1x1x8x128xf32, #tpu.memory_space<hbm>> -> memref<8x128xf32, #tpu.memory_space<hbm>>
      %dma_start3A_454 = arith.constant 16 : i32
      %dma_start3A_455 = tpu.memref_slice %arg4[%rem3A_93, %dma_start3A_454, %add3A_447] : memref<8x32x4096xf32, #tpu.memory_space<vmem_shared>> -> memref<1x8x128xf32, #tpu.memory_space<vmem_shared>>
      %dma_start3A_456 = tpu.memref_squeeze %dma_start3A_455 : memref<1x8x128xf32, #tpu.memory_space<vmem_shared>> -> memref<8x128xf32, #tpu.memory_space<vmem_shared>>
      tpu.enqueue_dma source(%dma_start3A_456 : memref<8x128xf32, #tpu.memory_space<vmem_shared>>) target(%dma_start3A_453 : memref<8x128xf32, #tpu.memory_space<hbm>>) target_semaphore(%arg5 : memref<!tpu.dma_semaphore, #tpu.memory_space<semaphore_mem>>)
      %add3A_457 = arith.constant 128 : i32
      %add3A_458 = arith.addi %multiple_of3A, %add3A_457 : i32
      %dma_start3A_459 = arith.constant 2 : i32
      %dma_start3A_460 = arith.constant 1 : i32
      %dma_start3A_461 = arith.constant 0 : i32
      %dma_start3A_462 = arith.constant 0 : i32
      %dma_start3A_463 = tpu.memref_slice %arg3[%add3A_89, %dma_start3A_459, %dma_start3A_460, %dma_start3A_461, %dma_start3A_462] : memref<2048x4x16x8x128xf32, #tpu.memory_space<hbm>> -> memref<1x1x1x8x128xf32, #tpu.memory_space<hbm>>
      %dma_start3A_464 = tpu.memref_squeeze %dma_start3A_463 : memref<1x1x1x8x128xf32, #tpu.memory_space<hbm>> -> memref<8x128xf32, #tpu.memory_space<hbm>>
      %dma_start3A_465 = arith.constant 16 : i32
      %dma_start3A_466 = tpu.memref_slice %arg4[%rem3A_93, %dma_start3A_465, %add3A_458] : memref<8x32x4096xf32, #tpu.memory_space<vmem_shared>> -> memref<1x8x128xf32, #tpu.memory_space<vmem_shared>>
      %dma_start3A_467 = tpu.memref_squeeze %dma_start3A_466 : memref<1x8x128xf32, #tpu.memory_space<vmem_shared>> -> memref<8x128xf32, #tpu.memory_space<vmem_shared>>
      tpu.enqueue_dma source(%dma_start3A_467 : memref<8x128xf32, #tpu.memory_space<vmem_shared>>) target(%dma_start3A_464 : memref<8x128xf32, #tpu.memory_space<hbm>>) target_semaphore(%arg5 : memref<!tpu.dma_semaphore, #tpu.memory_space<semaphore_mem>>)
      %add3A_468 = arith.constant 256 : i32
      %add3A_469 = arith.addi %multiple_of3A, %add3A_468 : i32
      %dma_start3A_470 = arith.constant 2 : i32
      %dma_start3A_471 = arith.constant 2 : i32
      %dma_start3A_472 = arith.constant 0 : i32
      %dma_start3A_473 = arith.constant 0 : i32
      %dma_start3A_474 = tpu.memref_slice %arg3[%add3A_89, %dma_start3A_470, %dma_start3A_471, %dma_start3A_472, %dma_start3A_473] : memref<2048x4x16x8x128xf32, #tpu.memory_space<hbm>> -> memref<1x1x1x8x128xf32, #tpu.memory_space<hbm>>
      %dma_start3A_475 = tpu.memref_squeeze %dma_start3A_474 : memref<1x1x1x8x128xf32, #tpu.memory_space<hbm>> -> memref<8x128xf32, #tpu.memory_space<hbm>>
      %dma_start3A_476 = arith.constant 16 : i32
      %dma_start3A_477 = tpu.memref_slice %arg4[%rem3A_93, %dma_start3A_476, %add3A_469] : memref<8x32x4096xf32, #tpu.memory_space<vmem_shared>> -> memref<1x8x128xf32, #tpu.memory_space<vmem_shared>>
      %dma_start3A_478 = tpu.memref_squeeze %dma_start3A_477 : memref<1x8x128xf32, #tpu.memory_space<vmem_shared>> -> memref<8x128xf32, #tpu.memory_space<vmem_shared>>
      tpu.enqueue_dma source(%dma_start3A_478 : memref<8x128xf32, #tpu.memory_space<vmem_shared>>) target(%dma_start3A_475 : memref<8x128xf32, #tpu.memory_space<hbm>>) target_semaphore(%arg5 : memref<!tpu.dma_semaphore, #tpu.memory_space<semaphore_mem>>)
      %add3A_479 = arith.constant 384 : i32
      %add3A_480 = arith.addi %multiple_of3A, %add3A_479 : i32
      %dma_start3A_481 = arith.constant 2 : i32
      %dma_start3A_482 = arith.constant 3 : i32
      %dma_start3A_483 = arith.constant 0 : i32
      %dma_start3A_484 = arith.constant 0 : i32
      %dma_start3A_485 = tpu.memref_slice %arg3[%add3A_89, %dma_start3A_481, %dma_start3A_482, %dma_start3A_483, %dma_start3A_484] : memref<2048x4x16x8x128xf32, #tpu.memory_space<hbm>> -> memref<1x1x1x8x128xf32, #tpu.memory_space<hbm>>
      %dma_start3A_486 = tpu.memref_squeeze %dma_start3A_485 : memref<1x1x1x8x128xf32, #tpu.memory_space<hbm>> -> memref<8x128xf32, #tpu.memory_space<hbm>>
      %dma_start3A_487 = arith.constant 16 : i32
      %dma_start3A_488 = tpu.memref_slice %arg4[%rem3A_93, %dma_start3A_487, %add3A_480] : memref<8x32x4096xf32, #tpu.memory_space<vmem_shared>> -> memref<1x8x128xf32, #tpu.memory_space<vmem_shared>>
      %dma_start3A_489 = tpu.memref_squeeze %dma_start3A_488 : memref<1x8x128xf32, #tpu.memory_space<vmem_shared>> -> memref<8x128xf32, #tpu.memory_space<vmem_shared>>
      tpu.enqueue_dma source(%dma_start3A_489 : memref<8x128xf32, #tpu.memory_space<vmem_shared>>) target(%dma_start3A_486 : memref<8x128xf32, #tpu.memory_space<hbm>>) target_semaphore(%arg5 : memref<!tpu.dma_semaphore, #tpu.memory_space<semaphore_mem>>)
      %add3A_490 = arith.constant 512 : i32
      %add3A_491 = arith.addi %multiple_of3A, %add3A_490 : i32
      %dma_start3A_492 = arith.constant 2 : i32
      %dma_start3A_493 = arith.constant 4 : i32
      %dma_start3A_494 = arith.constant 0 : i32
      %dma_start3A_495 = arith.constant 0 : i32
      %dma_start3A_496 = tpu.memref_slice %arg3[%add3A_89, %dma_start3A_492, %dma_start3A_493, %dma_start3A_494, %dma_start3A_495] : memref<2048x4x16x8x128xf32, #tpu.memory_space<hbm>> -> memref<1x1x1x8x128xf32, #tpu.memory_space<hbm>>
      %dma_start3A_497 = tpu.memref_squeeze %dma_start3A_496 : memref<1x1x1x8x128xf32, #tpu.memory_space<hbm>> -> memref<8x128xf32, #tpu.memory_space<hbm>>
      %dma_start3A_498 = arith.constant 16 : i32
      %dma_start3A_499 = tpu.memref_slice %arg4[%rem3A_93, %dma_start3A_498, %add3A_491] : memref<8x32x4096xf32, #tpu.memory_space<vmem_shared>> -> memref<1x8x128xf32, #tpu.memory_space<vmem_shared>>
      %dma_start3A_500 = tpu.memref_squeeze %dma_start3A_499 : memref<1x8x128xf32, #tpu.memory_space<vmem_shared>> -> memref<8x128xf32, #tpu.memory_space<vmem_shared>>
      tpu.enqueue_dma source(%dma_start3A_500 : memref<8x128xf32, #tpu.memory_space<vmem_shared>>) target(%dma_start3A_497 : memref<8x128xf32, #tpu.memory_space<hbm>>) target_semaphore(%arg5 : memref<!tpu.dma_semaphore, #tpu.memory_space<semaphore_mem>>)
      %add3A_501 = arith.constant 640 : i32
      %add3A_502 = arith.addi %multiple_of3A, %add3A_501 : i32
      %dma_start3A_503 = arith.constant 2 : i32
      %dma_start3A_504 = arith.constant 5 : i32
      %dma_start3A_505 = arith.constant 0 : i32
      %dma_start3A_506 = arith.constant 0 : i32
      %dma_start3A_507 = tpu.memref_slice %arg3[%add3A_89, %dma_start3A_503, %dma_start3A_504, %dma_start3A_505, %dma_start3A_506] : memref<2048x4x16x8x128xf32, #tpu.memory_space<hbm>> -> memref<1x1x1x8x128xf32, #tpu.memory_space<hbm>>
      %dma_start3A_508 = tpu.memref_squeeze %dma_start3A_507 : memref<1x1x1x8x128xf32, #tpu.memory_space<hbm>> -> memref<8x128xf32, #tpu.memory_space<hbm>>
      %dma_start3A_509 = arith.constant 16 : i32
      %dma_start3A_510 = tpu.memref_slice %arg4[%rem3A_93, %dma_start3A_509, %add3A_502] : memref<8x32x4096xf32, #tpu.memory_space<vmem_shared>> -> memref<1x8x128xf32, #tpu.memory_space<vmem_shared>>
      %dma_start3A_511 = tpu.memref_squeeze %dma_start3A_510 : memref<1x8x128xf32, #tpu.memory_space<vmem_shared>> -> memref<8x128xf32, #tpu.memory_space<vmem_shared>>
      tpu.enqueue_dma source(%dma_start3A_511 : memref<8x128xf32, #tpu.memory_space<vmem_shared>>) target(%dma_start3A_508 : memref<8x128xf32, #tpu.memory_space<hbm>>) target_semaphore(%arg5 : memref<!tpu.dma_semaphore, #tpu.memory_space<semaphore_mem>>)
      %add3A_512 = arith.constant 768 : i32
      %add3A_513 = arith.addi %multiple_of3A, %add3A_512 : i32
      %dma_start3A_514 = arith.constant 2 : i32
      %dma_start3A_515 = arith.constant 6 : i32
      %dma_start3A_516 = arith.constant 0 : i32
      %dma_start3A_517 = arith.constant 0 : i32
      %dma_start3A_518 = tpu.memref_slice %arg3[%add3A_89, %dma_start3A_514, %dma_start3A_515, %dma_start3A_516, %dma_start3A_517] : memref<2048x4x16x8x128xf32, #tpu.memory_space<hbm>> -> memref<1x1x1x8x128xf32, #tpu.memory_space<hbm>>
      %dma_start3A_519 = tpu.memref_squeeze %dma_start3A_518 : memref<1x1x1x8x128xf32, #tpu.memory_space<hbm>> -> memref<8x128xf32, #tpu.memory_space<hbm>>
      %dma_start3A_520 = arith.constant 16 : i32
      %dma_start3A_521 = tpu.memref_slice %arg4[%rem3A_93, %dma_start3A_520, %add3A_513] : memref<8x32x4096xf32, #tpu.memory_space<vmem_shared>> -> memref<1x8x128xf32, #tpu.memory_space<vmem_shared>>
      %dma_start3A_522 = tpu.memref_squeeze %dma_start3A_521 : memref<1x8x128xf32, #tpu.memory_space<vmem_shared>> -> memref<8x128xf32, #tpu.memory_space<vmem_shared>>
      tpu.enqueue_dma source(%dma_start3A_522 : memref<8x128xf32, #tpu.memory_space<vmem_shared>>) target(%dma_start3A_519 : memref<8x128xf32, #tpu.memory_space<hbm>>) target_semaphore(%arg5 : memref<!tpu.dma_semaphore, #tpu.memory_space<semaphore_mem>>)
      %add3A_523 = arith.constant 896 : i32
      %add3A_524 = arith.addi %multiple_of3A, %add3A_523 : i32
      %dma_start3A_525 = arith.constant 2 : i32
      %dma_start3A_526 = arith.constant 7 : i32
      %dma_start3A_527 = arith.constant 0 : i32
      %dma_start3A_528 = arith.constant 0 : i32
      %dma_start3A_529 = tpu.memref_slice %arg3[%add3A_89, %dma_start3A_525, %dma_start3A_526, %dma_start3A_527, %dma_start3A_528] : memref<2048x4x16x8x128xf32, #tpu.memory_space<hbm>> -> memref<1x1x1x8x128xf32, #tpu.memory_space<hbm>>
      %dma_start3A_530 = tpu.memref_squeeze %dma_start3A_529 : memref<1x1x1x8x128xf32, #tpu.memory_space<hbm>> -> memref<8x128xf32, #tpu.memory_space<hbm>>
      %dma_start3A_531 = arith.constant 16 : i32
      %dma_start3A_532 = tpu.memref_slice %arg4[%rem3A_93, %dma_start3A_531, %add3A_524] : memref<8x32x4096xf32, #tpu.memory_space<vmem_shared>> -> memref<1x8x128xf32, #tpu.memory_space<vmem_shared>>
      %dma_start3A_533 = tpu.memref_squeeze %dma_start3A_532 : memref<1x8x128xf32, #tpu.memory_space<vmem_shared>> -> memref<8x128xf32, #tpu.memory_space<vmem_shared>>
      tpu.enqueue_dma source(%dma_start3A_533 : memref<8x128xf32, #tpu.memory_space<vmem_shared>>) target(%dma_start3A_530 : memref<8x128xf32, #tpu.memory_space<hbm>>) target_semaphore(%arg5 : memref<!tpu.dma_semaphore, #tpu.memory_space<semaphore_mem>>)
      %add3A_534 = arith.constant 1024 : i32
      %add3A_535 = arith.addi %multiple_of3A, %add3A_534 : i32
      %dma_start3A_536 = arith.constant 2 : i32
      %dma_start3A_537 = arith.constant 8 : i32
      %dma_start3A_538 = arith.constant 0 : i32
      %dma_start3A_539 = arith.constant 0 : i32
      %dma_start3A_540 = tpu.memref_slice %arg3[%add3A_89, %dma_start3A_536, %dma_start3A_537, %dma_start3A_538, %dma_start3A_539] : memref<2048x4x16x8x128xf32, #tpu.memory_space<hbm>> -> memref<1x1x1x8x128xf32, #tpu.memory_space<hbm>>
      %dma_start3A_541 = tpu.memref_squeeze %dma_start3A_540 : memref<1x1x1x8x128xf32, #tpu.memory_space<hbm>> -> memref<8x128xf32, #tpu.memory_space<hbm>>
      %dma_start3A_542 = arith.constant 16 : i32
      %dma_start3A_543 = tpu.memref_slice %arg4[%rem3A_93, %dma_start3A_542, %add3A_535] : memref<8x32x4096xf32, #tpu.memory_space<vmem_shared>> -> memref<1x8x128xf32, #tpu.memory_space<vmem_shared>>
      %dma_start3A_544 = tpu.memref_squeeze %dma_start3A_543 : memref<1x8x128xf32, #tpu.memory_space<vmem_shared>> -> memref<8x128xf32, #tpu.memory_space<vmem_shared>>
      tpu.enqueue_dma source(%dma_start3A_544 : memref<8x128xf32, #tpu.memory_space<vmem_shared>>) target(%dma_start3A_541 : memref<8x128xf32, #tpu.memory_space<hbm>>) target_semaphore(%arg5 : memref<!tpu.dma_semaphore, #tpu.memory_space<semaphore_mem>>)
      %add3A_545 = arith.constant 1152 : i32
      %add3A_546 = arith.addi %multiple_of3A, %add3A_545 : i32
      %dma_start3A_547 = arith.constant 2 : i32
      %dma_start3A_548 = arith.constant 9 : i32
      %dma_start3A_549 = arith.constant 0 : i32
      %dma_start3A_550 = arith.constant 0 : i32
      %dma_start3A_551 = tpu.memref_slice %arg3[%add3A_89, %dma_start3A_547, %dma_start3A_548, %dma_start3A_549, %dma_start3A_550] : memref<2048x4x16x8x128xf32, #tpu.memory_space<hbm>> -> memref<1x1x1x8x128xf32, #tpu.memory_space<hbm>>
      %dma_start3A_552 = tpu.memref_squeeze %dma_start3A_551 : memref<1x1x1x8x128xf32, #tpu.memory_space<hbm>> -> memref<8x128xf32, #tpu.memory_space<hbm>>
      %dma_start3A_553 = arith.constant 16 : i32
      %dma_start3A_554 = tpu.memref_slice %arg4[%rem3A_93, %dma_start3A_553, %add3A_546] : memref<8x32x4096xf32, #tpu.memory_space<vmem_shared>> -> memref<1x8x128xf32, #tpu.memory_space<vmem_shared>>
      %dma_start3A_555 = tpu.memref_squeeze %dma_start3A_554 : memref<1x8x128xf32, #tpu.memory_space<vmem_shared>> -> memref<8x128xf32, #tpu.memory_space<vmem_shared>>
      tpu.enqueue_dma source(%dma_start3A_555 : memref<8x128xf32, #tpu.memory_space<vmem_shared>>) target(%dma_start3A_552 : memref<8x128xf32, #tpu.memory_space<hbm>>) target_semaphore(%arg5 : memref<!tpu.dma_semaphore, #tpu.memory_space<semaphore_mem>>)
      %add3A_556 = arith.constant 1280 : i32
      %add3A_557 = arith.addi %multiple_of3A, %add3A_556 : i32
      %dma_start3A_558 = arith.constant 2 : i32
      %dma_start3A_559 = arith.constant 10 : i32
      %dma_start3A_560 = arith.constant 0 : i32
      %dma_start3A_561 = arith.constant 0 : i32
      %dma_start3A_562 = tpu.memref_slice %arg3[%add3A_89, %dma_start3A_558, %dma_start3A_559, %dma_start3A_560, %dma_start3A_561] : memref<2048x4x16x8x128xf32, #tpu.memory_space<hbm>> -> memref<1x1x1x8x128xf32, #tpu.memory_space<hbm>>
      %dma_start3A_563 = tpu.memref_squeeze %dma_start3A_562 : memref<1x1x1x8x128xf32, #tpu.memory_space<hbm>> -> memref<8x128xf32, #tpu.memory_space<hbm>>
      %dma_start3A_564 = arith.constant 16 : i32
      %dma_start3A_565 = tpu.memref_slice %arg4[%rem3A_93, %dma_start3A_564, %add3A_557] : memref<8x32x4096xf32, #tpu.memory_space<vmem_shared>> -> memref<1x8x128xf32, #tpu.memory_space<vmem_shared>>
      %dma_start3A_566 = tpu.memref_squeeze %dma_start3A_565 : memref<1x8x128xf32, #tpu.memory_space<vmem_shared>> -> memref<8x128xf32, #tpu.memory_space<vmem_shared>>
      tpu.enqueue_dma source(%dma_start3A_566 : memref<8x128xf32, #tpu.memory_space<vmem_shared>>) target(%dma_start3A_563 : memref<8x128xf32, #tpu.memory_space<hbm>>) target_semaphore(%arg5 : memref<!tpu.dma_semaphore, #tpu.memory_space<semaphore_mem>>)
      %add3A_567 = arith.constant 1408 : i32
      %add3A_568 = arith.addi %multiple_of3A, %add3A_567 : i32
      %dma_start3A_569 = arith.constant 2 : i32
      %dma_start3A_570 = arith.constant 11 : i32
      %dma_start3A_571 = arith.constant 0 : i32
      %dma_start3A_572 = arith.constant 0 : i32
      %dma_start3A_573 = tpu.memref_slice %arg3[%add3A_89, %dma_start3A_569, %dma_start3A_570, %dma_start3A_571, %dma_start3A_572] : memref<2048x4x16x8x128xf32, #tpu.memory_space<hbm>> -> memref<1x1x1x8x128xf32, #tpu.memory_space<hbm>>
      %dma_start3A_574 = tpu.memref_squeeze %dma_start3A_573 : memref<1x1x1x8x128xf32, #tpu.memory_space<hbm>> -> memref<8x128xf32, #tpu.memory_space<hbm>>
      %dma_start3A_575 = arith.constant 16 : i32
      %dma_start3A_576 = tpu.memref_slice %arg4[%rem3A_93, %dma_start3A_575, %add3A_568] : memref<8x32x4096xf32, #tpu.memory_space<vmem_shared>> -> memref<1x8x128xf32, #tpu.memory_space<vmem_shared>>
      %dma_start3A_577 = tpu.memref_squeeze %dma_start3A_576 : memref<1x8x128xf32, #tpu.memory_space<vmem_shared>> -> memref<8x128xf32, #tpu.memory_space<vmem_shared>>
      tpu.enqueue_dma source(%dma_start3A_577 : memref<8x128xf32, #tpu.memory_space<vmem_shared>>) target(%dma_start3A_574 : memref<8x128xf32, #tpu.memory_space<hbm>>) target_semaphore(%arg5 : memref<!tpu.dma_semaphore, #tpu.memory_space<semaphore_mem>>)
      %add3A_578 = arith.constant 1536 : i32
      %add3A_579 = arith.addi %multiple_of3A, %add3A_578 : i32
      %dma_start3A_580 = arith.constant 2 : i32
      %dma_start3A_581 = arith.constant 12 : i32
      %dma_start3A_582 = arith.constant 0 : i32
      %dma_start3A_583 = arith.constant 0 : i32
      %dma_start3A_584 = tpu.memref_slice %arg3[%add3A_89, %dma_start3A_580, %dma_start3A_581, %dma_start3A_582, %dma_start3A_583] : memref<2048x4x16x8x128xf32, #tpu.memory_space<hbm>> -> memref<1x1x1x8x128xf32, #tpu.memory_space<hbm>>
      %dma_start3A_585 = tpu.memref_squeeze %dma_start3A_584 : memref<1x1x1x8x128xf32, #tpu.memory_space<hbm>> -> memref<8x128xf32, #tpu.memory_space<hbm>>
      %dma_start3A_586 = arith.constant 16 : i32
      %dma_start3A_587 = tpu.memref_slice %arg4[%rem3A_93, %dma_start3A_586, %add3A_579] : memref<8x32x4096xf32, #tpu.memory_space<vmem_shared>> -> memref<1x8x128xf32, #tpu.memory_space<vmem_shared>>
      %dma_start3A_588 = tpu.memref_squeeze %dma_start3A_587 : memref<1x8x128xf32, #tpu.memory_space<vmem_shared>> -> memref<8x128xf32, #tpu.memory_space<vmem_shared>>
      tpu.enqueue_dma source(%dma_start3A_588 : memref<8x128xf32, #tpu.memory_space<vmem_shared>>) target(%dma_start3A_585 : memref<8x128xf32, #tpu.memory_space<hbm>>) target_semaphore(%arg5 : memref<!tpu.dma_semaphore, #tpu.memory_space<semaphore_mem>>)
      %add3A_589 = arith.constant 1664 : i32
      %add3A_590 = arith.addi %multiple_of3A, %add3A_589 : i32
      %dma_start3A_591 = arith.constant 2 : i32
      %dma_start3A_592 = arith.constant 13 : i32
      %dma_start3A_593 = arith.constant 0 : i32
      %dma_start3A_594 = arith.constant 0 : i32
      %dma_start3A_595 = tpu.memref_slice %arg3[%add3A_89, %dma_start3A_591, %dma_start3A_592, %dma_start3A_593, %dma_start3A_594] : memref<2048x4x16x8x128xf32, #tpu.memory_space<hbm>> -> memref<1x1x1x8x128xf32, #tpu.memory_space<hbm>>
      %dma_start3A_596 = tpu.memref_squeeze %dma_start3A_595 : memref<1x1x1x8x128xf32, #tpu.memory_space<hbm>> -> memref<8x128xf32, #tpu.memory_space<hbm>>
      %dma_start3A_597 = arith.constant 16 : i32
      %dma_start3A_598 = tpu.memref_slice %arg4[%rem3A_93, %dma_start3A_597, %add3A_590] : memref<8x32x4096xf32, #tpu.memory_space<vmem_shared>> -> memref<1x8x128xf32, #tpu.memory_space<vmem_shared>>
      %dma_start3A_599 = tpu.memref_squeeze %dma_start3A_598 : memref<1x8x128xf32, #tpu.memory_space<vmem_shared>> -> memref<8x128xf32, #tpu.memory_space<vmem_shared>>
      tpu.enqueue_dma source(%dma_start3A_599 : memref<8x128xf32, #tpu.memory_space<vmem_shared>>) target(%dma_start3A_596 : memref<8x128xf32, #tpu.memory_space<hbm>>) target_semaphore(%arg5 : memref<!tpu.dma_semaphore, #tpu.memory_space<semaphore_mem>>)
      %add3A_600 = arith.constant 1792 : i32
      %add3A_601 = arith.addi %multiple_of3A, %add3A_600 : i32
      %dma_start3A_602 = arith.constant 2 : i32
      %dma_start3A_603 = arith.constant 14 : i32
      %dma_start3A_604 = arith.constant 0 : i32
      %dma_start3A_605 = arith.constant 0 : i32
      %dma_start3A_606 = tpu.memref_slice %arg3[%add3A_89, %dma_start3A_602, %dma_start3A_603, %dma_start3A_604, %dma_start3A_605] : memref<2048x4x16x8x128xf32, #tpu.memory_space<hbm>> -> memref<1x1x1x8x128xf32, #tpu.memory_space<hbm>>
      %dma_start3A_607 = tpu.memref_squeeze %dma_start3A_606 : memref<1x1x1x8x128xf32, #tpu.memory_space<hbm>> -> memref<8x128xf32, #tpu.memory_space<hbm>>
      %dma_start3A_608 = arith.constant 16 : i32
      %dma_start3A_609 = tpu.memref_slice %arg4[%rem3A_93, %dma_start3A_608, %add3A_601] : memref<8x32x4096xf32, #tpu.memory_space<vmem_shared>> -> memref<1x8x128xf32, #tpu.memory_space<vmem_shared>>
      %dma_start3A_610 = tpu.memref_squeeze %dma_start3A_609 : memref<1x8x128xf32, #tpu.memory_space<vmem_shared>> -> memref<8x128xf32, #tpu.memory_space<vmem_shared>>
      tpu.enqueue_dma source(%dma_start3A_610 : memref<8x128xf32, #tpu.memory_space<vmem_shared>>) target(%dma_start3A_607 : memref<8x128xf32, #tpu.memory_space<hbm>>) target_semaphore(%arg5 : memref<!tpu.dma_semaphore, #tpu.memory_space<semaphore_mem>>)
      %add3A_611 = arith.constant 1920 : i32
      %add3A_612 = arith.addi %multiple_of3A, %add3A_611 : i32
      %dma_start3A_613 = arith.constant 2 : i32
      %dma_start3A_614 = arith.constant 15 : i32
      %dma_start3A_615 = arith.constant 0 : i32
      %dma_start3A_616 = arith.constant 0 : i32
      %dma_start3A_617 = tpu.memref_slice %arg3[%add3A_89, %dma_start3A_613, %dma_start3A_614, %dma_start3A_615, %dma_start3A_616] : memref<2048x4x16x8x128xf32, #tpu.memory_space<hbm>> -> memref<1x1x1x8x128xf32, #tpu.memory_space<hbm>>
      %dma_start3A_618 = tpu.memref_squeeze %dma_start3A_617 : memref<1x1x1x8x128xf32, #tpu.memory_space<hbm>> -> memref<8x128xf32, #tpu.memory_space<hbm>>
      %dma_start3A_619 = arith.constant 16 : i32
      %dma_start3A_620 = tpu.memref_slice %arg4[%rem3A_93, %dma_start3A_619, %add3A_612] : memref<8x32x4096xf32, #tpu.memory_space<vmem_shared>> -> memref<1x8x128xf32, #tpu.memory_space<vmem_shared>>
      %dma_start3A_621 = tpu.memref_squeeze %dma_start3A_620 : memref<1x8x128xf32, #tpu.memory_space<vmem_shared>> -> memref<8x128xf32, #tpu.memory_space<vmem_shared>>
      tpu.enqueue_dma source(%dma_start3A_621 : memref<8x128xf32, #tpu.memory_space<vmem_shared>>) target(%dma_start3A_618 : memref<8x128xf32, #tpu.memory_space<hbm>>) target_semaphore(%arg5 : memref<!tpu.dma_semaphore, #tpu.memory_space<semaphore_mem>>)
      %add3A_622 = arith.constant 0 : i32
      %add3A_623 = arith.addi %multiple_of3A, %add3A_622 : i32
      %dma_start3A_624 = arith.constant 3 : i32
      %dma_start3A_625 = arith.constant 0 : i32
      %dma_start3A_626 = arith.constant 0 : i32
      %dma_start3A_627 = arith.constant 0 : i32
      %dma_start3A_628 = tpu.memref_slice %arg3[%add3A_89, %dma_start3A_624, %dma_start3A_625, %dma_start3A_626, %dma_start3A_627] : memref<2048x4x16x8x128xf32, #tpu.memory_space<hbm>> -> memref<1x1x1x8x128xf32, #tpu.memory_space<hbm>>
      %dma_start3A_629 = tpu.memref_squeeze %dma_start3A_628 : memref<1x1x1x8x128xf32, #tpu.memory_space<hbm>> -> memref<8x128xf32, #tpu.memory_space<hbm>>
      %dma_start3A_630 = arith.constant 24 : i32
      %dma_start3A_631 = tpu.memref_slice %arg4[%rem3A_93, %dma_start3A_630, %add3A_623] : memref<8x32x4096xf32, #tpu.memory_space<vmem_shared>> -> memref<1x8x128xf32, #tpu.memory_space<vmem_shared>>
      %dma_start3A_632 = tpu.memref_squeeze %dma_start3A_631 : memref<1x8x128xf32, #tpu.memory_space<vmem_shared>> -> memref<8x128xf32, #tpu.memory_space<vmem_shared>>
      tpu.enqueue_dma source(%dma_start3A_632 : memref<8x128xf32, #tpu.memory_space<vmem_shared>>) target(%dma_start3A_629 : memref<8x128xf32, #tpu.memory_space<hbm>>) target_semaphore(%arg5 : memref<!tpu.dma_semaphore, #tpu.memory_space<semaphore_mem>>)
      %add3A_633 = arith.constant 128 : i32
      %add3A_634 = arith.addi %multiple_of3A, %add3A_633 : i32
      %dma_start3A_635 = arith.constant 3 : i32
      %dma_start3A_636 = arith.constant 1 : i32
      %dma_start3A_637 = arith.constant 0 : i32
      %dma_start3A_638 = arith.constant 0 : i32
      %dma_start3A_639 = tpu.memref_slice %arg3[%add3A_89, %dma_start3A_635, %dma_start3A_636, %dma_start3A_637, %dma_start3A_638] : memref<2048x4x16x8x128xf32, #tpu.memory_space<hbm>> -> memref<1x1x1x8x128xf32, #tpu.memory_space<hbm>>
      %dma_start3A_640 = tpu.memref_squeeze %dma_start3A_639 : memref<1x1x1x8x128xf32, #tpu.memory_space<hbm>> -> memref<8x128xf32, #tpu.memory_space<hbm>>
      %dma_start3A_641 = arith.constant 24 : i32
      %dma_start3A_642 = tpu.memref_slice %arg4[%rem3A_93, %dma_start3A_641, %add3A_634] : memref<8x32x4096xf32, #tpu.memory_space<vmem_shared>> -> memref<1x8x128xf32, #tpu.memory_space<vmem_shared>>
      %dma_start3A_643 = tpu.memref_squeeze %dma_start3A_642 : memref<1x8x128xf32, #tpu.memory_space<vmem_shared>> -> memref<8x128xf32, #tpu.memory_space<vmem_shared>>
      tpu.enqueue_dma source(%dma_start3A_643 : memref<8x128xf32, #tpu.memory_space<vmem_shared>>) target(%dma_start3A_640 : memref<8x128xf32, #tpu.memory_space<hbm>>) target_semaphore(%arg5 : memref<!tpu.dma_semaphore, #tpu.memory_space<semaphore_mem>>)
      %add3A_644 = arith.constant 256 : i32
      %add3A_645 = arith.addi %multiple_of3A, %add3A_644 : i32
      %dma_start3A_646 = arith.constant 3 : i32
      %dma_start3A_647 = arith.constant 2 : i32
      %dma_start3A_648 = arith.constant 0 : i32
      %dma_start3A_649 = arith.constant 0 : i32
      %dma_start3A_650 = tpu.memref_slice %arg3[%add3A_89, %dma_start3A_646, %dma_start3A_647, %dma_start3A_648, %dma_start3A_649] : memref<2048x4x16x8x128xf32, #tpu.memory_space<hbm>> -> memref<1x1x1x8x128xf32, #tpu.memory_space<hbm>>
      %dma_start3A_651 = tpu.memref_squeeze %dma_start3A_650 : memref<1x1x1x8x128xf32, #tpu.memory_space<hbm>> -> memref<8x128xf32, #tpu.memory_space<hbm>>
      %dma_start3A_652 = arith.constant 24 : i32
      %dma_start3A_653 = tpu.memref_slice %arg4[%rem3A_93, %dma_start3A_652, %add3A_645] : memref<8x32x4096xf32, #tpu.memory_space<vmem_shared>> -> memref<1x8x128xf32, #tpu.memory_space<vmem_shared>>
      %dma_start3A_654 = tpu.memref_squeeze %dma_start3A_653 : memref<1x8x128xf32, #tpu.memory_space<vmem_shared>> -> memref<8x128xf32, #tpu.memory_space<vmem_shared>>
      tpu.enqueue_dma source(%dma_start3A_654 : memref<8x128xf32, #tpu.memory_space<vmem_shared>>) target(%dma_start3A_651 : memref<8x128xf32, #tpu.memory_space<hbm>>) target_semaphore(%arg5 : memref<!tpu.dma_semaphore, #tpu.memory_space<semaphore_mem>>)
      %add3A_655 = arith.constant 384 : i32
      %add3A_656 = arith.addi %multiple_of3A, %add3A_655 : i32
      %dma_start3A_657 = arith.constant 3 : i32
      %dma_start3A_658 = arith.constant 3 : i32
      %dma_start3A_659 = arith.constant 0 : i32
      %dma_start3A_660 = arith.constant 0 : i32
      %dma_start3A_661 = tpu.memref_slice %arg3[%add3A_89, %dma_start3A_657, %dma_start3A_658, %dma_start3A_659, %dma_start3A_660] : memref<2048x4x16x8x128xf32, #tpu.memory_space<hbm>> -> memref<1x1x1x8x128xf32, #tpu.memory_space<hbm>>
      %dma_start3A_662 = tpu.memref_squeeze %dma_start3A_661 : memref<1x1x1x8x128xf32, #tpu.memory_space<hbm>> -> memref<8x128xf32, #tpu.memory_space<hbm>>
      %dma_start3A_663 = arith.constant 24 : i32
      %dma_start3A_664 = tpu.memref_slice %arg4[%rem3A_93, %dma_start3A_663, %add3A_656] : memref<8x32x4096xf32, #tpu.memory_space<vmem_shared>> -> memref<1x8x128xf32, #tpu.memory_space<vmem_shared>>
      %dma_start3A_665 = tpu.memref_squeeze %dma_start3A_664 : memref<1x8x128xf32, #tpu.memory_space<vmem_shared>> -> memref<8x128xf32, #tpu.memory_space<vmem_shared>>
      tpu.enqueue_dma source(%dma_start3A_665 : memref<8x128xf32, #tpu.memory_space<vmem_shared>>) target(%dma_start3A_662 : memref<8x128xf32, #tpu.memory_space<hbm>>) target_semaphore(%arg5 : memref<!tpu.dma_semaphore, #tpu.memory_space<semaphore_mem>>)
      %add3A_666 = arith.constant 512 : i32
      %add3A_667 = arith.addi %multiple_of3A, %add3A_666 : i32
      %dma_start3A_668 = arith.constant 3 : i32
      %dma_start3A_669 = arith.constant 4 : i32
      %dma_start3A_670 = arith.constant 0 : i32
      %dma_start3A_671 = arith.constant 0 : i32
      %dma_start3A_672 = tpu.memref_slice %arg3[%add3A_89, %dma_start3A_668, %dma_start3A_669, %dma_start3A_670, %dma_start3A_671] : memref<2048x4x16x8x128xf32, #tpu.memory_space<hbm>> -> memref<1x1x1x8x128xf32, #tpu.memory_space<hbm>>
      %dma_start3A_673 = tpu.memref_squeeze %dma_start3A_672 : memref<1x1x1x8x128xf32, #tpu.memory_space<hbm>> -> memref<8x128xf32, #tpu.memory_space<hbm>>
      %dma_start3A_674 = arith.constant 24 : i32
      %dma_start3A_675 = tpu.memref_slice %arg4[%rem3A_93, %dma_start3A_674, %add3A_667] : memref<8x32x4096xf32, #tpu.memory_space<vmem_shared>> -> memref<1x8x128xf32, #tpu.memory_space<vmem_shared>>
      %dma_start3A_676 = tpu.memref_squeeze %dma_start3A_675 : memref<1x8x128xf32, #tpu.memory_space<vmem_shared>> -> memref<8x128xf32, #tpu.memory_space<vmem_shared>>
      tpu.enqueue_dma source(%dma_start3A_676 : memref<8x128xf32, #tpu.memory_space<vmem_shared>>) target(%dma_start3A_673 : memref<8x128xf32, #tpu.memory_space<hbm>>) target_semaphore(%arg5 : memref<!tpu.dma_semaphore, #tpu.memory_space<semaphore_mem>>)
      %add3A_677 = arith.constant 640 : i32
      %add3A_678 = arith.addi %multiple_of3A, %add3A_677 : i32
      %dma_start3A_679 = arith.constant 3 : i32
      %dma_start3A_680 = arith.constant 5 : i32
      %dma_start3A_681 = arith.constant 0 : i32
      %dma_start3A_682 = arith.constant 0 : i32
      %dma_start3A_683 = tpu.memref_slice %arg3[%add3A_89, %dma_start3A_679, %dma_start3A_680, %dma_start3A_681, %dma_start3A_682] : memref<2048x4x16x8x128xf32, #tpu.memory_space<hbm>> -> memref<1x1x1x8x128xf32, #tpu.memory_space<hbm>>
      %dma_start3A_684 = tpu.memref_squeeze %dma_start3A_683 : memref<1x1x1x8x128xf32, #tpu.memory_space<hbm>> -> memref<8x128xf32, #tpu.memory_space<hbm>>
      %dma_start3A_685 = arith.constant 24 : i32
      %dma_start3A_686 = tpu.memref_slice %arg4[%rem3A_93, %dma_start3A_685, %add3A_678] : memref<8x32x4096xf32, #tpu.memory_space<vmem_shared>> -> memref<1x8x128xf32, #tpu.memory_space<vmem_shared>>
      %dma_start3A_687 = tpu.memref_squeeze %dma_start3A_686 : memref<1x8x128xf32, #tpu.memory_space<vmem_shared>> -> memref<8x128xf32, #tpu.memory_space<vmem_shared>>
      tpu.enqueue_dma source(%dma_start3A_687 : memref<8x128xf32, #tpu.memory_space<vmem_shared>>) target(%dma_start3A_684 : memref<8x128xf32, #tpu.memory_space<hbm>>) target_semaphore(%arg5 : memref<!tpu.dma_semaphore, #tpu.memory_space<semaphore_mem>>)
      %add3A_688 = arith.constant 768 : i32
      %add3A_689 = arith.addi %multiple_of3A, %add3A_688 : i32
      %dma_start3A_690 = arith.constant 3 : i32
      %dma_start3A_691 = arith.constant 6 : i32
      %dma_start3A_692 = arith.constant 0 : i32
      %dma_start3A_693 = arith.constant 0 : i32
      %dma_start3A_694 = tpu.memref_slice %arg3[%add3A_89, %dma_start3A_690, %dma_start3A_691, %dma_start3A_692, %dma_start3A_693] : memref<2048x4x16x8x128xf32, #tpu.memory_space<hbm>> -> memref<1x1x1x8x128xf32, #tpu.memory_space<hbm>>
      %dma_start3A_695 = tpu.memref_squeeze %dma_start3A_694 : memref<1x1x1x8x128xf32, #tpu.memory_space<hbm>> -> memref<8x128xf32, #tpu.memory_space<hbm>>
      %dma_start3A_696 = arith.constant 24 : i32
      %dma_start3A_697 = tpu.memref_slice %arg4[%rem3A_93, %dma_start3A_696, %add3A_689] : memref<8x32x4096xf32, #tpu.memory_space<vmem_shared>> -> memref<1x8x128xf32, #tpu.memory_space<vmem_shared>>
      %dma_start3A_698 = tpu.memref_squeeze %dma_start3A_697 : memref<1x8x128xf32, #tpu.memory_space<vmem_shared>> -> memref<8x128xf32, #tpu.memory_space<vmem_shared>>
      tpu.enqueue_dma source(%dma_start3A_698 : memref<8x128xf32, #tpu.memory_space<vmem_shared>>) target(%dma_start3A_695 : memref<8x128xf32, #tpu.memory_space<hbm>>) target_semaphore(%arg5 : memref<!tpu.dma_semaphore, #tpu.memory_space<semaphore_mem>>)
      %add3A_699 = arith.constant 896 : i32
      %add3A_700 = arith.addi %multiple_of3A, %add3A_699 : i32
      %dma_start3A_701 = arith.constant 3 : i32
      %dma_start3A_702 = arith.constant 7 : i32
      %dma_start3A_703 = arith.constant 0 : i32
      %dma_start3A_704 = arith.constant 0 : i32
      %dma_start3A_705 = tpu.memref_slice %arg3[%add3A_89, %dma_start3A_701, %dma_start3A_702, %dma_start3A_703, %dma_start3A_704] : memref<2048x4x16x8x128xf32, #tpu.memory_space<hbm>> -> memref<1x1x1x8x128xf32, #tpu.memory_space<hbm>>
      %dma_start3A_706 = tpu.memref_squeeze %dma_start3A_705 : memref<1x1x1x8x128xf32, #tpu.memory_space<hbm>> -> memref<8x128xf32, #tpu.memory_space<hbm>>
      %dma_start3A_707 = arith.constant 24 : i32
      %dma_start3A_708 = tpu.memref_slice %arg4[%rem3A_93, %dma_start3A_707, %add3A_700] : memref<8x32x4096xf32, #tpu.memory_space<vmem_shared>> -> memref<1x8x128xf32, #tpu.memory_space<vmem_shared>>
      %dma_start3A_709 = tpu.memref_squeeze %dma_start3A_708 : memref<1x8x128xf32, #tpu.memory_space<vmem_shared>> -> memref<8x128xf32, #tpu.memory_space<vmem_shared>>
      tpu.enqueue_dma source(%dma_start3A_709 : memref<8x128xf32, #tpu.memory_space<vmem_shared>>) target(%dma_start3A_706 : memref<8x128xf32, #tpu.memory_space<hbm>>) target_semaphore(%arg5 : memref<!tpu.dma_semaphore, #tpu.memory_space<semaphore_mem>>)
      %add3A_710 = arith.constant 1024 : i32
      %add3A_711 = arith.addi %multiple_of3A, %add3A_710 : i32
      %dma_start3A_712 = arith.constant 3 : i32
      %dma_start3A_713 = arith.constant 8 : i32
      %dma_start3A_714 = arith.constant 0 : i32
      %dma_start3A_715 = arith.constant 0 : i32
      %dma_start3A_716 = tpu.memref_slice %arg3[%add3A_89, %dma_start3A_712, %dma_start3A_713, %dma_start3A_714, %dma_start3A_715] : memref<2048x4x16x8x128xf32, #tpu.memory_space<hbm>> -> memref<1x1x1x8x128xf32, #tpu.memory_space<hbm>>
      %dma_start3A_717 = tpu.memref_squeeze %dma_start3A_716 : memref<1x1x1x8x128xf32, #tpu.memory_space<hbm>> -> memref<8x128xf32, #tpu.memory_space<hbm>>
      %dma_start3A_718 = arith.constant 24 : i32
      %dma_start3A_719 = tpu.memref_slice %arg4[%rem3A_93, %dma_start3A_718, %add3A_711] : memref<8x32x4096xf32, #tpu.memory_space<vmem_shared>> -> memref<1x8x128xf32, #tpu.memory_space<vmem_shared>>
      %dma_start3A_720 = tpu.memref_squeeze %dma_start3A_719 : memref<1x8x128xf32, #tpu.memory_space<vmem_shared>> -> memref<8x128xf32, #tpu.memory_space<vmem_shared>>
      tpu.enqueue_dma source(%dma_start3A_720 : memref<8x128xf32, #tpu.memory_space<vmem_shared>>) target(%dma_start3A_717 : memref<8x128xf32, #tpu.memory_space<hbm>>) target_semaphore(%arg5 : memref<!tpu.dma_semaphore, #tpu.memory_space<semaphore_mem>>)
      %add3A_721 = arith.constant 1152 : i32
      %add3A_722 = arith.addi %multiple_of3A, %add3A_721 : i32
      %dma_start3A_723 = arith.constant 3 : i32
      %dma_start3A_724 = arith.constant 9 : i32
      %dma_start3A_725 = arith.constant 0 : i32
      %dma_start3A_726 = arith.constant 0 : i32
      %dma_start3A_727 = tpu.memref_slice %arg3[%add3A_89, %dma_start3A_723, %dma_start3A_724, %dma_start3A_725, %dma_start3A_726] : memref<2048x4x16x8x128xf32, #tpu.memory_space<hbm>> -> memref<1x1x1x8x128xf32, #tpu.memory_space<hbm>>
      %dma_start3A_728 = tpu.memref_squeeze %dma_start3A_727 : memref<1x1x1x8x128xf32, #tpu.memory_space<hbm>> -> memref<8x128xf32, #tpu.memory_space<hbm>>
      %dma_start3A_729 = arith.constant 24 : i32
      %dma_start3A_730 = tpu.memref_slice %arg4[%rem3A_93, %dma_start3A_729, %add3A_722] : memref<8x32x4096xf32, #tpu.memory_space<vmem_shared>> -> memref<1x8x128xf32, #tpu.memory_space<vmem_shared>>
      %dma_start3A_731 = tpu.memref_squeeze %dma_start3A_730 : memref<1x8x128xf32, #tpu.memory_space<vmem_shared>> -> memref<8x128xf32, #tpu.memory_space<vmem_shared>>
      tpu.enqueue_dma source(%dma_start3A_731 : memref<8x128xf32, #tpu.memory_space<vmem_shared>>) target(%dma_start3A_728 : memref<8x128xf32, #tpu.memory_space<hbm>>) target_semaphore(%arg5 : memref<!tpu.dma_semaphore, #tpu.memory_space<semaphore_mem>>)
      %add3A_732 = arith.constant 1280 : i32
      %add3A_733 = arith.addi %multiple_of3A, %add3A_732 : i32
      %dma_start3A_734 = arith.constant 3 : i32
      %dma_start3A_735 = arith.constant 10 : i32
      %dma_start3A_736 = arith.constant 0 : i32
      %dma_start3A_737 = arith.constant 0 : i32
      %dma_start3A_738 = tpu.memref_slice %arg3[%add3A_89, %dma_start3A_734, %dma_start3A_735, %dma_start3A_736, %dma_start3A_737] : memref<2048x4x16x8x128xf32, #tpu.memory_space<hbm>> -> memref<1x1x1x8x128xf32, #tpu.memory_space<hbm>>
      %dma_start3A_739 = tpu.memref_squeeze %dma_start3A_738 : memref<1x1x1x8x128xf32, #tpu.memory_space<hbm>> -> memref<8x128xf32, #tpu.memory_space<hbm>>
      %dma_start3A_740 = arith.constant 24 : i32
      %dma_start3A_741 = tpu.memref_slice %arg4[%rem3A_93, %dma_start3A_740, %add3A_733] : memref<8x32x4096xf32, #tpu.memory_space<vmem_shared>> -> memref<1x8x128xf32, #tpu.memory_space<vmem_shared>>
      %dma_start3A_742 = tpu.memref_squeeze %dma_start3A_741 : memref<1x8x128xf32, #tpu.memory_space<vmem_shared>> -> memref<8x128xf32, #tpu.memory_space<vmem_shared>>
      tpu.enqueue_dma source(%dma_start3A_742 : memref<8x128xf32, #tpu.memory_space<vmem_shared>>) target(%dma_start3A_739 : memref<8x128xf32, #tpu.memory_space<hbm>>) target_semaphore(%arg5 : memref<!tpu.dma_semaphore, #tpu.memory_space<semaphore_mem>>)
      %add3A_743 = arith.constant 1408 : i32
      %add3A_744 = arith.addi %multiple_of3A, %add3A_743 : i32
      %dma_start3A_745 = arith.constant 3 : i32
      %dma_start3A_746 = arith.constant 11 : i32
      %dma_start3A_747 = arith.constant 0 : i32
      %dma_start3A_748 = arith.constant 0 : i32
      %dma_start3A_749 = tpu.memref_slice %arg3[%add3A_89, %dma_start3A_745, %dma_start3A_746, %dma_start3A_747, %dma_start3A_748] : memref<2048x4x16x8x128xf32, #tpu.memory_space<hbm>> -> memref<1x1x1x8x128xf32, #tpu.memory_space<hbm>>
      %dma_start3A_750 = tpu.memref_squeeze %dma_start3A_749 : memref<1x1x1x8x128xf32, #tpu.memory_space<hbm>> -> memref<8x128xf32, #tpu.memory_space<hbm>>
      %dma_start3A_751 = arith.constant 24 : i32
      %dma_start3A_752 = tpu.memref_slice %arg4[%rem3A_93, %dma_start3A_751, %add3A_744] : memref<8x32x4096xf32, #tpu.memory_space<vmem_shared>> -> memref<1x8x128xf32, #tpu.memory_space<vmem_shared>>
      %dma_start3A_753 = tpu.memref_squeeze %dma_start3A_752 : memref<1x8x128xf32, #tpu.memory_space<vmem_shared>> -> memref<8x128xf32, #tpu.memory_space<vmem_shared>>
      tpu.enqueue_dma source(%dma_start3A_753 : memref<8x128xf32, #tpu.memory_space<vmem_shared>>) target(%dma_start3A_750 : memref<8x128xf32, #tpu.memory_space<hbm>>) target_semaphore(%arg5 : memref<!tpu.dma_semaphore, #tpu.memory_space<semaphore_mem>>)
      %add3A_754 = arith.constant 1536 : i32
      %add3A_755 = arith.addi %multiple_of3A, %add3A_754 : i32
      %dma_start3A_756 = arith.constant 3 : i32
      %dma_start3A_757 = arith.constant 12 : i32
      %dma_start3A_758 = arith.constant 0 : i32
      %dma_start3A_759 = arith.constant 0 : i32
      %dma_start3A_760 = tpu.memref_slice %arg3[%add3A_89, %dma_start3A_756, %dma_start3A_757, %dma_start3A_758, %dma_start3A_759] : memref<2048x4x16x8x128xf32, #tpu.memory_space<hbm>> -> memref<1x1x1x8x128xf32, #tpu.memory_space<hbm>>
      %dma_start3A_761 = tpu.memref_squeeze %dma_start3A_760 : memref<1x1x1x8x128xf32, #tpu.memory_space<hbm>> -> memref<8x128xf32, #tpu.memory_space<hbm>>
      %dma_start3A_762 = arith.constant 24 : i32
      %dma_start3A_763 = tpu.memref_slice %arg4[%rem3A_93, %dma_start3A_762, %add3A_755] : memref<8x32x4096xf32, #tpu.memory_space<vmem_shared>> -> memref<1x8x128xf32, #tpu.memory_space<vmem_shared>>
      %dma_start3A_764 = tpu.memref_squeeze %dma_start3A_763 : memref<1x8x128xf32, #tpu.memory_space<vmem_shared>> -> memref<8x128xf32, #tpu.memory_space<vmem_shared>>
      tpu.enqueue_dma source(%dma_start3A_764 : memref<8x128xf32, #tpu.memory_space<vmem_shared>>) target(%dma_start3A_761 : memref<8x128xf32, #tpu.memory_space<hbm>>) target_semaphore(%arg5 : memref<!tpu.dma_semaphore, #tpu.memory_space<semaphore_mem>>)
      %add3A_765 = arith.constant 1664 : i32
      %add3A_766 = arith.addi %multiple_of3A, %add3A_765 : i32
      %dma_start3A_767 = arith.constant 3 : i32
      %dma_start3A_768 = arith.constant 13 : i32
      %dma_start3A_769 = arith.constant 0 : i32
      %dma_start3A_770 = arith.constant 0 : i32
      %dma_start3A_771 = tpu.memref_slice %arg3[%add3A_89, %dma_start3A_767, %dma_start3A_768, %dma_start3A_769, %dma_start3A_770] : memref<2048x4x16x8x128xf32, #tpu.memory_space<hbm>> -> memref<1x1x1x8x128xf32, #tpu.memory_space<hbm>>
      %dma_start3A_772 = tpu.memref_squeeze %dma_start3A_771 : memref<1x1x1x8x128xf32, #tpu.memory_space<hbm>> -> memref<8x128xf32, #tpu.memory_space<hbm>>
      %dma_start3A_773 = arith.constant 24 : i32
      %dma_start3A_774 = tpu.memref_slice %arg4[%rem3A_93, %dma_start3A_773, %add3A_766] : memref<8x32x4096xf32, #tpu.memory_space<vmem_shared>> -> memref<1x8x128xf32, #tpu.memory_space<vmem_shared>>
      %dma_start3A_775 = tpu.memref_squeeze %dma_start3A_774 : memref<1x8x128xf32, #tpu.memory_space<vmem_shared>> -> memref<8x128xf32, #tpu.memory_space<vmem_shared>>
      tpu.enqueue_dma source(%dma_start3A_775 : memref<8x128xf32, #tpu.memory_space<vmem_shared>>) target(%dma_start3A_772 : memref<8x128xf32, #tpu.memory_space<hbm>>) target_semaphore(%arg5 : memref<!tpu.dma_semaphore, #tpu.memory_space<semaphore_mem>>)
      %add3A_776 = arith.constant 1792 : i32
      %add3A_777 = arith.addi %multiple_of3A, %add3A_776 : i32
      %dma_start3A_778 = arith.constant 3 : i32
      %dma_start3A_779 = arith.constant 14 : i32
      %dma_start3A_780 = arith.constant 0 : i32
      %dma_start3A_781 = arith.constant 0 : i32
      %dma_start3A_782 = tpu.memref_slice %arg3[%add3A_89, %dma_start3A_778, %dma_start3A_779, %dma_start3A_780, %dma_start3A_781] : memref<2048x4x16x8x128xf32, #tpu.memory_space<hbm>> -> memref<1x1x1x8x128xf32, #tpu.memory_space<hbm>>
      %dma_start3A_783 = tpu.memref_squeeze %dma_start3A_782 : memref<1x1x1x8x128xf32, #tpu.memory_space<hbm>> -> memref<8x128xf32, #tpu.memory_space<hbm>>
      %dma_start3A_784 = arith.constant 24 : i32
      %dma_start3A_785 = tpu.memref_slice %arg4[%rem3A_93, %dma_start3A_784, %add3A_777] : memref<8x32x4096xf32, #tpu.memory_space<vmem_shared>> -> memref<1x8x128xf32, #tpu.memory_space<vmem_shared>>
      %dma_start3A_786 = tpu.memref_squeeze %dma_start3A_785 : memref<1x8x128xf32, #tpu.memory_space<vmem_shared>> -> memref<8x128xf32, #tpu.memory_space<vmem_shared>>
      tpu.enqueue_dma source(%dma_start3A_786 : memref<8x128xf32, #tpu.memory_space<vmem_shared>>) target(%dma_start3A_783 : memref<8x128xf32, #tpu.memory_space<hbm>>) target_semaphore(%arg5 : memref<!tpu.dma_semaphore, #tpu.memory_space<semaphore_mem>>)
      %add3A_787 = arith.constant 1920 : i32
      %add3A_788 = arith.addi %multiple_of3A, %add3A_787 : i32
      %dma_start3A_789 = arith.constant 3 : i32
      %dma_start3A_790 = arith.constant 15 : i32
      %dma_start3A_791 = arith.constant 0 : i32
      %dma_start3A_792 = arith.constant 0 : i32
      %dma_start3A_793 = tpu.memref_slice %arg3[%add3A_89, %dma_start3A_789, %dma_start3A_790, %dma_start3A_791, %dma_start3A_792] : memref<2048x4x16x8x128xf32, #tpu.memory_space<hbm>> -> memref<1x1x1x8x128xf32, #tpu.memory_space<hbm>>
      %dma_start3A_794 = tpu.memref_squeeze %dma_start3A_793 : memref<1x1x1x8x128xf32, #tpu.memory_space<hbm>> -> memref<8x128xf32, #tpu.memory_space<hbm>>
      %dma_start3A_795 = arith.constant 24 : i32
      %dma_start3A_796 = tpu.memref_slice %arg4[%rem3A_93, %dma_start3A_795, %add3A_788] : memref<8x32x4096xf32, #tpu.memory_space<vmem_shared>> -> memref<1x8x128xf32, #tpu.memory_space<vmem_shared>>
      %dma_start3A_797 = tpu.memref_squeeze %dma_start3A_796 : memref<1x8x128xf32, #tpu.memory_space<vmem_shared>> -> memref<8x128xf32, #tpu.memory_space<vmem_shared>>
      tpu.enqueue_dma source(%dma_start3A_797 : memref<8x128xf32, #tpu.memory_space<vmem_shared>>) target(%dma_start3A_794 : memref<8x128xf32, #tpu.memory_space<hbm>>) target_semaphore(%arg5 : memref<!tpu.dma_semaphore, #tpu.memory_space<semaphore_mem>>)
    }
    %scan3A_79 = arith.constant 64 : i32
    %scan3A_80 = arith.constant 0 : i32
    %scan3A_81 = arith.constant 0 : i32
    %scan3A_82 = arith.constant 4096 : i32
    %scan3A_83 = arith.addi %scan3A_81, %scan3A_82 : i32
    %scan3A_84 = arith.constant 1 : i32
    scf.for %scan3A_86 = %scan3A_81 to %scan3A_83 step %scan3A_84  : i32 {
      %dma_wait3A = arith.constant 0 : i32
      %dma_wait3A_87 = arith.constant 0 : i32
      %dma_wait3A_88 = arith.constant 0 : i32
      %dma_wait3A_89 = arith.constant 0 : i32
      %dma_wait3A_90 = arith.constant 0 : i32
      %dma_wait3A_91 = arith.constant 0 : i32
      %dma_wait3A_92 = tpu.memref_slice %arg3[%dma_wait3A_87, %dma_wait3A_88, %dma_wait3A_89, %dma_wait3A_90, %dma_wait3A_91] : memref<2048x4x16x8x128xf32, #tpu.memory_space<hbm>> -> memref<1x1x1x8x128xf32, #tpu.memory_space<hbm>>
      %dma_wait3A_93 = tpu.memref_squeeze %dma_wait3A_92 : memref<1x1x1x8x128xf32, #tpu.memory_space<hbm>> -> memref<8x128xf32, #tpu.memory_space<hbm>>
      %dma_wait3A_94 = arith.constant 0 : i32
      %dma_wait3A_95 = arith.constant 0 : i32
      %dma_wait3A_96 = tpu.memref_slice %arg4[%dma_wait3A, %dma_wait3A_94, %dma_wait3A_95] : memref<8x32x4096xf32, #tpu.memory_space<vmem_shared>> -> memref<1x8x128xf32, #tpu.memory_space<vmem_shared>>
      %dma_wait3A_97 = tpu.memref_squeeze %dma_wait3A_96 : memref<1x8x128xf32, #tpu.memory_space<vmem_shared>> -> memref<8x128xf32, #tpu.memory_space<vmem_shared>>
      tpu.wait_dma2 semaphore(%arg5 : memref<!tpu.dma_semaphore, #tpu.memory_space<semaphore_mem>>) src(%dma_wait3A_97 : memref<8x128xf32, #tpu.memory_space<vmem_shared>>) dst(%dma_wait3A_93 : memref<8x128xf32, #tpu.memory_space<hbm>>)
    }
    %scan3A_85 = arith.constant 4096 : i32
    return
  }
}

module attributes {stable_mosaic.version = 14 : i64} {
  func.func @_t8_body(%arg0: i32, %arg1: memref<1xi32, #tpu.memory_space<smem>>, %arg2: memref<32x129xf32, #tpu.memory_space<vmem>>, %arg3: memref<1x32x4096xf32, #tpu.memory_space<vmem>>) attributes {dimension_semantics = [#tpu.dimension_semantics<arbitrary>], iteration_bounds = array<i64: 8>, scalar_prefetch = 0 : i64, scratch_operands = 0 : i64, tpu.core_type = #tpu.core_type<tc>, window_params = [{transform_indices = @transform_0, window_bounds = array<i64: 1>}, {pipeline_mode = #tpu.pipeline_mode<synchronous>, transform_indices = @transform_1, window_bounds = array<i64: 32, 129>}, {transform_indices = @transform_2, window_bounds = array<i64: 1, 32, 4096>}]} {
    %get3A = arith.constant 0 : index
    %get3A_0 = memref.load %arg1[%get3A] : memref<1xi32, #tpu.memory_space<smem>>
    %iota3A = tpu.iota {dimensions = array<i32: 0>} : vector<129x384xi32>
    %iota3A_1 = tpu.iota {dimensions = array<i32: 1>} : vector<129x384xi32>
    %add3A = arith.constant 1792 : i32
    %add3A_2 = arith.addi %add3A, %arg0 : i32
    %sub3A = arith.constant 2047 : i32
    %sub3A_3 = arith.subi %add3A_2, %sub3A : i32
    %add3A_4 = vector.broadcast %sub3A_3 : i32 to vector<129x384xi32>
    %add3A_5 = arith.addi %iota3A_1, %add3A_4 : vector<129x384xi32>
    %abs3A = math.absi %add3A_5 : vector<129x384xi32>
    %jit3A = arith.constant 0 : i32
    %max3A = vector.broadcast %jit3A : i32 to vector<129x384xi32>
    %max3A_6 = arith.maxsi %max3A, %abs3A : vector<129x384xi32>
    %min3A = vector.broadcast %get3A_0 : i32 to vector<129x384xi32>
    %min3A_7 = arith.minsi %min3A, %max3A_6 : vector<129x384xi32>
    %eq3A = arith.cmpi eq, %iota3A, %min3A_7 : vector<129x384xi32>
    %convert_element_type3A = arith.extui %eq3A : vector<129x384xi1> to vector<129x384xi32>
    %convert_element_type3A_8 = arith.sitofp %convert_element_type3A : vector<129x384xi32> to vector<129x384xf32>
    %get3A_9 = arith.constant 0 : index
    %get3A_10 = arith.constant 0 : index
    %get3A_11 = vector.load %arg2[%get3A_9, %get3A_10] : memref<32x129xf32, #tpu.memory_space<vmem>>, vector<32x129xf32>
    %dot_general3A = arith.constant dense<0.000000e+00> : vector<32x384xf32>
    %dot_general3A_12 = tpu.matmul %get3A_11, %convert_element_type3A_8, %dot_general3A {dimension_numbers = #tpu.dot_dimension_numbers<[1], [0], [0], [1], [0, 0, 1, 1], [], []>, precision = #tpu.contract_precision<fp32>, transpose_lhs_hint = false} : vector<32x129xf32>, vector<129x384xf32>, vector<32x384xf32> -> vector<32x384xf32>
    %slice3A = vector.extract_strided_slice %dot_general3A_12 {offsets = [0, 0], sizes = [32, 1], strides = [1, 1]} : vector<32x384xf32> to vector<32x1xf32>
    %broadcast_in_dim3A = vector.shape_cast %slice3A : vector<32x1xf32> to vector<32x1xf32>
    %broadcast_in_dim3A_13 = vector.broadcast %broadcast_in_dim3A : vector<32x1xf32> to vector<32x1792xf32>
    %broadcast_in_dim3A_14 = vector.shape_cast %slice3A : vector<32x1xf32> to vector<32x1xf32>
    %broadcast_in_dim3A_15 = vector.broadcast %broadcast_in_dim3A_14 : vector<32x1xf32> to vector<32x1920xf32>
    %concatenate3A = tpu.concatenate %broadcast_in_dim3A_13, %dot_general3A_12, %broadcast_in_dim3A_15 in 1 : vector<32x1792xf32>, vector<32x384xf32>, vector<32x1920xf32> -> vector<32x4096xf32>
    %swap3A = arith.constant 0 : index
    %swap3A_16 = arith.constant 0 : index
    %swap3A_17 = arith.constant 0 : index
    %swap3A_18 = vector.load %arg3[%swap3A, %swap3A_16, %swap3A_17] : memref<1x32x4096xf32, #tpu.memory_space<vmem>>, vector<1x32x4096xf32>
    %swap3A_19 = vector.shape_cast %swap3A_18 : vector<1x32x4096xf32> to vector<32x4096xf32>
    %swap3A_20 = vector.shape_cast %concatenate3A : vector<32x4096xf32> to vector<1x32x4096xf32>
    tpu.vector_store %arg3[%swap3A, %swap3A_16, %swap3A_17], %swap3A_20 {strides = array<i32>} : memref<1x32x4096xf32, #tpu.memory_space<vmem>>, vector<1x32x4096xf32>,
    return
  }
  func.func @transform_0(%arg0: i32) -> i32 {
    %c0_i32 = arith.constant 0 : i32
    %c0_i32_0 = arith.constant 0 : i32
    return %c0_i32 : i32
  }
  func.func @transform_1(%arg0: i32) -> (i32, i32) {
    %c0_i32 = arith.constant 0 : i32
    %c0_i32_0 = arith.constant 0 : i32
    %c0_i32_1 = arith.constant 0 : i32
    return %c0_i32, %c0_i32_0 : i32, i32
  }
  func.func @transform_2(%arg0: i32) -> (i32, i32, i32) {
    %c0_i32 = arith.constant 0 : i32
    %c0_i32_0 = arith.constant 0 : i32
    %c0_i32_1 = arith.constant 0 : i32
    return %arg0, %c0_i32, %c0_i32_0 : i32, i32, i32
  }
}

</mosaic_0001>

<sc_bundles>
// kernel: kernel.4.cloned.1.call-start
scs
__scs_entry_jumppad:
0x0: {  	(pc) =	sbr.rel $0x88, $3  }
0x1: {  	(tag) =	ssettag $0x0;
	lr =	simm.s32 $0x1  }
0x2: {  	[smem:$0x3F9F] =	sst lr;
	_ =	strace $0xD0000000  }
0x3: {  	_ = 	snop  }
0x4: {  	_ = 	snop  }
0x5: {  	_ = 	snop  }
0x6: {  	_ = 	snop  }
0x7: {  	_ = 	snop  }
__scs_overlays_trampoline_lowered:
0x8: {  	[smem:$0x3FAE] =	sst s0  }
0x9: {  	[smem:$0x3FAF] =	sst s1  }
0xa: {  	[smem:$0x3FB0] =	sst s2  }
0xb: {  	[smem:$0x3FB1] =	sst s3  }
0xc: {  	[smem:$0x3FB2] =	sst s4  }
0xd: {  	[smem:$0x3FB3] =	sst s5  }
0xe: {  	[smem:$0x3FB4] =	sst s6  }
0xf: {  	[smem:$0x3FB5] =	sst s7  }
0x10: {  	[smem:$0x3FB6] =	sst s8  }
0x11: {  	[smem:$0x3FB7] =	sst s9;
	s0 =	simm.s32 @!p0 $0x0  }
0x12: {  	s1 =	sld [smem:$0x3F9D];
	s0 =	simm.s32 @p0 $0x1  }
0x13: {  	[smem:$0x3FB8] =	sst s0;
	s0 =	simm.s32 @!p1 $0x0  }
0x14: {  	s2 =	sld [smem:$0x3F9C];
	s0 =	simm.s32 @p1 $0x1  }
0x15: {  	[smem:$0x3FB9] =	sst s0;
	s0 =	simm.s32 @!p2 $0x0  }
0x16: {  	s3 =	sld [smem:$0x3FDB];
	s0 =	simm.s32 @p2 $0x1  }
0x17: {  	s4 =	simm.s32 $0x1BF5;
	[smem:$0x3FBB] =	sst s0  }
0x18: {  	s0 =	sld [smem:$0x3F9E];
	_ =	swait.ge [sflag:s4], $0x0  }
0x19: {  	s7 =	sld [smem:$0x3F9F]  }
0x1a: {  	s8 =	sadd.s32 $0xFFFFE003, lr  }
0x1b: {  	s9 =	sadd.s32 $0xFFFFFEF7, lr;
	s5 =	simm.s32 $0xFFFFFFFF;
	p2 =	slt.u32 s8, $0xFFFFF086  }
0x1c: {  	p1 =	slt.u32 s9, $0xF7A;
	s5 =	simm.s32 @!p2 $0x0  }
0x1d: {  	s5 =	simm.s32 @p1 $0x1;
	p0 =	seq.s32 s7, s2  }
0x1e: {  	s7 =	smul.u32 @!p0 $0xF7A, s2;
	p2 =	seq.s32 @!p0 s5, $0x0  }
0x1f: {  	s9 =	smul.u32 $0xF7A, s1;
	s8 =	simm.s32 @!p0 $0x1BF5;
	p2 =	por !p2, p0  }
0x20: {  	[sflag:s8] =	ssyncset.s32 @!p0 $0xFFFFF086;
	s6 =	sadd.s32 @!p0 s3, s7;
	s7 =	simm.s32 @!p0 $0x108  }
0x21: {  	s3 =	sadd.s32 s3, s9;
	s6 =	sadd.s32 @!p0 $0x88, s6;
	s7 =	simm.s32 @p2 $0x1082  }
0x22: {  	[simem:s7], [sflag:s8] =	dma.local @!p0 [hbm:s6], $0xF7A  }
0x23: {  	s9 =	sor.u32 $0xD0000000, s2;
	s6 =	simm.s32 $0x108;
	_ =	swait.ge @!p0 [sflag:s8], $0x0  }
0x24: {  	s3 =	sadd.s32 $0x88, s3;
	s6 =	simm.s32 @!p1 $0x1082;
	[sflag:s4] =	ssyncset.s32 $0xFFFFF086  }
0x25: {  	[simem:s6], [sflag:s4] =	dma.local [hbm:s3], $0xF7A  }
0x26: {  	[smem:$0x3F9F] =	sst s1;
	(tag) =	ssettag s2;
	_ =	strace s9  }
0x27: {  	s1 =	sld [smem:$0x3FAF]  }
0x28: {  	s2 =	sld [smem:$0x3FB0]  }
0x29: {  	s4 =	sld [smem:$0x3FB2]  }
0x2a: {  	p0 =	seq.s32 s5, $0x0;
	s5 =	sld [smem:$0x3FB3]  }
0x2b: {  	s6 =	sld [smem:$0x3FB4]  }
0x2c: {  	s7 =	sld [smem:$0x3FB5]  }
0x2d: {  	s3 =	simm.s32 $0x108;
	s8 =	sld [smem:$0x3FB6]  }
0x2e: {  	s3 =	simm.s32 @!p0 $0x1082;
	s9 =	sld [smem:$0x3FB7]  }
0x2f: {  	lr =	sadd.s32 s0, s3;
	s0 =	sld [smem:$0x3FAE]  }
0x30: {  	s3 =	sld [smem:$0x3FB1]  }
0x31: {  	[smem:$0x3FBA] =	sst s10  }
0x32: {  	s10 =	sld [smem:$0x3FB8];
	_ =	sdelay $0x3  }
0x33: {  	p0 =	seq.s32 s10, $0x1;
	s10 =	sld [smem:$0x3FBA];
	_ =	sdelay $0x3  }
0x34: {  	[smem:$0x3FBA] =	sst s10  }
0x35: {  	s10 =	sld [smem:$0x3FB9];
	_ =	sdelay $0x3  }
0x36: {  	p1 =	seq.s32 s10, $0x1;
	s10 =	sld [smem:$0x3FBA];
	_ =	sdelay $0x3  }
0x37: {  	[smem:$0x3FBA] =	sst s10  }
0x38: {  	s10 =	sld [smem:$0x3FBB]  }
0x39: {  	_ = 	snop;
	(pc) =	sbr.ind lr, $3  }
0x3a: {  	_ = 	snop  }
0x3b: {  	_ = 	snop  }
0x3c: {  	p2 =	seq.s32 s10, $0x1;
	s10 =	sld [smem:$0x3FBA]  }
0x3d: {  	_ =	shalt  }
0x3e: {  	_ =	shalt  }
0x3f: {  	_ =	shalt  }
0x40: {  	_ =	shalt  }
0x41: {  	_ =	shalt  }
0x42: {  	_ =	shalt  }
0x43: {  	_ =	shalt  }
0x44: {  	_ =	shalt  }
0x45: {  	_ =	shalt  }
0x46: {  	_ =	shalt  }
0x47: {  	_ =	shalt  }
0x48: {  	_ =	shalt  }
0x49: {  	_ =	shalt  }
0x4a: {  	_ =	shalt  }
0x4b: {  	_ =	shalt  }
0x4c: {  	_ =	shalt  }
0x4d: {  	_ =	shalt  }
0x4e: {  	_ =	shalt  }
0x4f: {  	_ =	shalt  }
0x50: {  	_ =	shalt  }
0x51: {  	_ =	shalt  }
0x52: {  	_ =	shalt  }
0x53: {  	_ =	shalt  }
0x54: {  	_ =	shalt  }
0x55: {  	_ =	shalt  }
0x56: {  	_ =	shalt  }
0x57: {  	_ =	shalt  }
0x58: {  	_ =	shalt  }
0x59: {  	_ =	shalt  }
0x5a: {  	_ =	shalt  }
0x5b: {  	_ =	shalt  }
0x5c: {  	_ =	shalt  }
0x5d: {  	_ =	shalt  }
0x5e: {  	_ =	shalt  }
0x5f: {  	_ =	shalt  }
0x60: {  	_ =	shalt  }
0x61: {  	_ =	shalt  }
0x62: {  	_ =	shalt  }
0x63: {  	_ =	shalt  }
0x64: {  	_ =	shalt  }
0x65: {  	_ =	shalt  }
0x66: {  	_ =	shalt  }
0x67: {  	_ =	shalt  }
0x68: {  	_ =	shalt  }
0x69: {  	_ =	shalt  }
0x6a: {  	_ =	shalt  }
0x6b: {  	_ =	shalt  }
0x6c: {  	_ =	shalt  }
0x6d: {  	_ =	shalt  }
0x6e: {  	_ =	shalt  }
0x6f: {  	_ =	shalt  }
0x70: {  	_ =	shalt  }
0x71: {  	_ =	shalt  }
0x72: {  	_ =	shalt  }
0x73: {  	_ =	shalt  }
0x74: {  	_ =	shalt  }
0x75: {  	_ =	shalt  }
0x76: {  	_ =	shalt  }
0x77: {  	_ =	shalt  }
0x78: {  	_ =	shalt  }
0x79: {  	_ =	shalt  }
0x7a: {  	_ =	shalt  }
0x7b: {  	_ =	shalt  }
0x7c: {  	_ =	shalt  }
0x7d: {  	_ =	shalt  }
0x7e: {  	_ =	shalt  }
0x7f: {  	_ =	shalt  }
0x80: {  	_ =	shalt  }
0x81: {  	_ =	shalt  }
0x82: {  	_ =	shalt  }
0x83: {  	_ =	shalt  }
0x84: {  	_ =	shalt  }
0x85: {  	_ =	shalt  }
0x86: {  	_ =	shalt  }
0x87: {  	_ =	shalt  }
.Lfunc_end0:
.L_simem_size_0:
called_computation_lowered:
.L_overlay_start_0:
0x88: {  	s2 =	sld [smem:$0x3FD9]  }
0x89: {  	s3 =	sld [smem:$0x3FFE];
	_ =	sdelay $0x1  }
0x8a: {  	s1 =	srdreg.scid  }
0x8b: {  	s0 =	sand.u32 $0x1, s1  }
0x8c: {  	s17 =	sshll.u32 s0, $0xA;
	s2 =	sadd.s32 s3, s2  }
0x8d: {  	s2 =	sadd.s32 s2, s17  }
0x8e: {  	[smem:$0x3FC6] =	sst s2  }
0x8f: {  	_ = 	snop  }
0x90: {  	s2 =	sld [smem:$0x3FD0];
	(tm) =	ssettm $0x1  }
0x91: {  	s18 =	sld [smem:$0x3FFB];
	_ =	sdelay $0x3  }
0x92: {  	_ =	strace s18  }
0x93: {  	s3 =	sld [smem:$0x3FFC];
	_ =	sdelay $0x3  }
0x94: {  	_ =	strace s3  }
0x95: {  	s3 =	sld [smem:$0x3FFD];
	_ =	sdelay $0x3  }
0x96: {  	_ =	strace s3  }
0x97: {  	_ =	strace $0x8FFFFFFF  }
0x98: {  	s19 =	sld [smem:$0x3FDB];
	_ =	sdelay $0x1  }
0x99: {  	s4 =	simm.s32 $_scs_section_size  }
0x9a: {  	s5 =	simm.s32 $_size__tile_overlayer_lowered;
	s6 =	simm.s32 $_tile_overlayer_lowered  }
0x9b: {  	s22 =	simm.s32 $0x1BFF;
	s21 =	sshll.u32 s6, $0x1;
	s3 =	sadd.s32 s4, s19  }
0x9c: {  	s7 =	simm.s32 $0x0;
	s20 =	sshll.u32 s5, $0x1;
	s5 =	sadd.s32 s21, s3  }
0x9d: {  	[timem:s7], [sflag:s22] =	dma.local [hbm:s5], s20  }
0x9e: {  	_ =	swait.ge [sflag:s22], s20  }
0x9f: {  	s4 =	ssub.s32 $0x0, s20;
	[sflag:s22] =	ssyncset.done $0x0  }
0xa0: {  	[sflag:s22] =	ssyncadd.s32 s4;
	_ =	sdelay $0x1  }
0xa1: {  	s23 =	simm.s32 $0x1B8B  }
0xa2: {  	_ =	swait.ge [sflag:s23], $0x1  }
0xa3: {  	[sflag:s23] =	ssyncset.done $0x0  }
0xa4: {  	s25 =	simm.s32 $0x1B8E;
	s24 =	sld [smem:$0x3FFE];
	[sflag:s23] =	ssyncadd.s32 $0xFFFFFFFF  }
0xa5: {  	s26 =	simm.s32 $execute0_lowered;
	[smem:$0x3FD2] =	sst s25  }
0xa6: {  	s5 =	sshll.u32 s26, $0x1;
	_ =	strace $0x80000046;
	[dreg:$0x1] =	wrdreg $0xFFFFFFFF  }
0xa7: {  	s28 =	simm.s32 $_size_execute0_lowered;
	s3 =	sadd.s32 s3, s5;
	[dreg:$0x0] =	wrdreg $0x0  }
0xa8: {  	s5 =	sshll.u32 s28, $0x1;
	[dreg:$0x2] =	wrdreg s3  }
0xa9: {  	[dreg:$0x3] =	wrdreg s5  }
0xaa: {  	[dreg:$0x4] =	wrdreg $0xC0  }
0xab: {  	_ =	task [dreg:s7], $0x5FFFF  }
0xac: {  	[dreg:$0x1] =	wrdreg $0xFFFFFFFF  }
0xad: {  	[dreg:$0x0] =	wrdreg $0x60  }
0xae: {  	[dreg:$0x2] =	wrdreg s24  }
0xaf: {  	[dreg:$0x3] =	wrdreg s2  }
0xb0: {  	[dreg:$0x4] =	wrdreg $0x0  }
0xb1: {  	[dreg:$0x5] =	wrdreg $0x9  }
0xb2: {  	_ =	task.clear_ibuf [dreg:s7], $0x6FFFF;
	_ =	strace $0x90000046  }
0xb3: {  	s29 =	simm.s32 $0x9;
	_ =	strace $0x80000048  }
0xb4: {  	_ =	swait.ge [sflag:s29], $0x1  }
0xb5: {  	[sflag:s29] =	ssyncadd.s32 $0xFFFFFFFF  }
0xb6: {  	_ =	strace $0x90000048  }
0xb7: {  	_ =	sfence  }
0xb8: {  	s30 =	sld [smem:$0x0];
	_ =	sdelay $0x2  }
0xb9: {  	s31 =	sshll.u32 s1, $0xD;
	s1 =	sshrl.u32 s1, $0x2  }
0xba: {  	s3 =	sand.u32 $0x4000, s31;
	s1 =	sadd.s32 s1, s30  }
0xbb: {  	s0 =	sor.u32 s3, s0;
	s1 =	sshll.u32 s1, $0x11  }
0xbc: {  	s0 =	sor.u32 s1, s0  }
0xbd: {  	s0 =	sadd.s32 $0x8F2B, s0  }
0xbe: {  	[sflag:s0] =	ssyncadd.remote.s32 $0x1  }
0xbf: {  	_ =	sfence.sel $0xFFFF  }
0xc0: {  	[dreg:$0x0] =	wrdreg $0xFFFFFFFF;
	(pc) =	sbr.abs _section_cstart, $3  }
0xc1: {  	[dreg:$0x1] =	wrdreg $0xFFFFFFFF  }
0xc2: {  	_ =	task.clear_ibuf [dreg:s7], $0x2FFFF;
	_ =	strace $0x9FFFFFFF  }
0xc3: {  	(tm) =	ssettm $0x7FFFFFFF  }
tec
execute0_lowered:
.L_overlay_start_1:
0x0: {  	(tag) =	ssettag $0x1  }
0x1: {  	s0 =	rddreg [dreg:$0x0]  }
0x2: {  	s1 =	rddreg [dreg:$0x1]  }
0x3: {  	s6 =	rddreg [dreg:$0x2];
	s2 =	srdreg.scid;
	s8 =	simm.s32 $0x0  }
0x4: {  	s7 =	stileid.u32;
	s2 =	sand.u32 $0x1, s2;
	[smem:$0x7FF] =	sst s8  }
0x5: {  	s4 =	sshll.u32 s7, $0xD;
	s23 =	sshll.u32 s7, $0x10;
	s24 =	sshll.u32 s7, $0x6  }
0x6: {  	s25 =	sshll.u32 s7, $0x7;
	s7 =	sshll.u32 s7, $0x14;
	s3 =	ssub.s32 $0x2, s2  }
0x7: {  	_ =	strace $0x80000047;
	s0 =	sadd.s32 s4, s0;
	s4 =	sadd.s32 s23, s6  }
0x8: {  	s26 =	sshll.u32 s2, $0x6;
	s1 =	sadd.s32 s7, s1;
	s28 =	sor.u32 $0x1C02, s24  }
0x9: {  	s2 =	sshll.u32 s2, $0x13;
	s0 =	sadd.s32 $0x600, s0;
	[smem:$0x7F9] =	sst s28  }
0xa: {  	s5 =	sshrl.u32 s3, $0x1;
	s1 =	sadd.s32 s2, s1;
	[smem:$0x7F8] =	sst s0  }
0xb: {  	s31 =	sshrl.u32 s4, $0x3;
	s3 =	ssub.s32 s3, s5;
	[dreg:$0x4] =	wrdreg s1  }
0xc: {  	s5 =	sor.u32 s25, s26;
	[smem:$0x7FD] =	sst s31;
	s3 =	smax.u32 s3, $0x1  }
0xd: {  	s12 =	simm.s32 $0x1;
	s29 =	sxor.u32 $0x7FF, s5;
	[smem:$0x7FA] =	sst s3  }
0xe: {  	s13 =	simm.s32 $0x10;
	[smem:$0x7FB] =	sst s29;
	s30 =	sshll.u32 s29, $0x11  }
0xf: {  	s14 =	simm.s32 $0x200;
	s11 =	sor.u32 $0x1C01, s24;
	[smem:$0x7FC] =	sst s30  }
.LBB2_1:
0x10: {  	s0 =	sld [smem:$0x7F8]  }
0x11: {  	s1 =	sld [smem:$0x7F9]  }
0x12: {  	s2 =	sld [smem:$0x7FD];
	_ =	sdelay $0x1  }
0x13: {  	[smem:$0x7AA] =	sst s8;
	s4 =	simm.s32 $0x2  }
0x14: {  	[spmem:s2], [sflag:s1] =	dma.local [hbm:s0], $0x2000  }
0x15: {  	_ =	swait.ge [sflag:s4], $0x2000  }
0x16: {  	[sflag:s4] =	ssyncset.done $0x0  }
0x17: {  	[sflag:s4] =	ssyncadd.s32 $0xFFFFE000  }
0x18: {  	[bflag:$0x0] =	sbarrier.arrive $0xFFFF  }
0x19: {  	s9 =	sld [smem:$0x7FC]  }
0x1a: {  	s3 =	sld [smem:$0x7FB];
	_ =	sdelay $0x1  }
0x1b: {  	s4 =	rddreg [dreg:$0x2];
	s6 =	sand.u32 $0xE0000, s9  }
0x1c: {  	s7 =	sand.u32 $0x7F8, s3;
	s0 =	sadd.s32 s6, s4  }
0x1d: {  	s0 =	sadd.s32 s7, s0  }
0x1e: {  	s5 =	rddreg [dreg:$0x4];
	s8 =	sadd.s32 $0x80, s0  }
0x1f: {  	s18 =	sadd.s32 $0x0, s5;
	s2 =	sadd.s32 $0x180, s0;
	s1 =	sshrl.u32 s8, $0x3  }
0x20: {  	s17 =	sadd.s32 $0x300, s0;
	s2 =	sshrl.u32 s2, $0x3;
	[dreg:$0x6] =	wrdreg s1  }
0x21: {  	s22 =	sadd.s32 $0x480, s0;
	s19 =	sshrl.u32 s17, $0x3;
	[dreg:$0x8] =	wrdreg s2  }
0x22: {  	s6 =	sadd.s32 $0x780, s0;
	s23 =	sshrl.u32 s22, $0x3;
	[dreg:$0xb] =	wrdreg s19  }
0x23: {  	s10 =	sadd.s32 $0x100, s0;
	s7 =	sshrl.u32 s6, $0x3;
	[dreg:$0xe] =	wrdreg s23  }
0x24: {  	s26 =	sadd.s32 $0x600, s0;
	s1 =	sshrl.u32 s10, $0x3;
	[dreg:$0x14] =	wrdreg s7  }
0x25: {  	s15 =	sadd.s32 $0x200, s0;
	s2 =	sshrl.u32 s26, $0x3;
	[dreg:$0x7] =	wrdreg s1  }
0x26: {  	s16 =	sadd.s32 $0x280, s0;
	s1 =	sshrl.u32 s15, $0x3;
	[dreg:$0x11] =	wrdreg s2  }
0x27: {  	s15 =	sadd.s32 $0x8100, s0;
	[dreg:$0x9] =	wrdreg s1;
	s1 =	sshrl.u32 s16, $0x3  }
0x28: {  	s20 =	sadd.s32 $0x380, s0;
	s16 =	sshrl.u32 s15, $0x3;
	[dreg:$0xa] =	wrdreg s1  }
0x29: {  	s21 =	sadd.s32 $0x400, s0;
	s1 =	sshrl.u32 s20, $0x3;
	[dreg:$0x17] =	wrdreg s16  }
0x2a: {  	s20 =	sadd.s32 $0x8280, s0;
	[dreg:$0xc] =	wrdreg s1;
	s1 =	sshrl.u32 s21, $0x3  }
0x2b: {  	s24 =	sadd.s32 $0x500, s0;
	s21 =	sshrl.u32 s20, $0x3;
	[dreg:$0xd] =	wrdreg s1  }
0x2c: {  	s25 =	sadd.s32 $0x580, s0;
	s1 =	sshrl.u32 s24, $0x3;
	[dreg:$0x1a] =	wrdreg s21  }
0x2d: {  	s24 =	sadd.s32 $0x8400, s0;
	[dreg:$0xf] =	wrdreg s1;
	s1 =	sshrl.u32 s25, $0x3  }
0x2e: {  	s4 =	sadd.s32 $0x680, s0;
	s25 =	sshrl.u32 s24, $0x3;
	[dreg:$0x10] =	wrdreg s1  }
0x2f: {  	s5 =	sadd.s32 $0x700, s0;
	s1 =	sshrl.u32 s4, $0x3;
	[dreg:$0x1d] =	wrdreg s25  }
0x30: {  	s4 =	sadd.s32 $0x8580, s0;
	[dreg:$0x12] =	wrdreg s1;
	s1 =	sshrl.u32 s5, $0x3  }
0x31: {  	s8 =	sadd.s32 $0x8000, s0;
	s5 =	sshrl.u32 s4, $0x3;
	[dreg:$0x13] =	wrdreg s1  }
0x32: {  	s10 =	sadd.s32 $0x8080, s0;
	s1 =	sshrl.u32 s8, $0x3;
	[smem:$0x7AB] =	sst s5  }
0x33: {  	s8 =	sadd.s32 $0x8700, s0;
	[dreg:$0x15] =	wrdreg s1;
	s1 =	sshrl.u32 s10, $0x3  }
0x34: {  	s17 =	sadd.s32 $0x8180, s0;
	s10 =	sshrl.u32 s8, $0x3;
	[dreg:$0x16] =	wrdreg s1  }
0x35: {  	s19 =	sadd.s32 $0x8200, s0;
	s1 =	sshrl.u32 s17, $0x3;
	[smem:$0x7AE] =	sst s10  }
0x36: {  	s17 =	sadd.s32 $0x10080, s0;
	[dreg:$0x18] =	wrdreg s1;
	s1 =	sshrl.u32 s19, $0x3  }
0x37: {  	s22 =	sadd.s32 $0x8300, s0;
	s19 =	sshrl.u32 s17, $0x3;
	[dreg:$0x19] =	wrdreg s1  }
0x38: {  	s23 =	sadd.s32 $0x8380, s0;
	s1 =	sshrl.u32 s22, $0x3;
	[smem:$0x7B1] =	sst s19  }
0x39: {  	s22 =	sadd.s32 $0x10200, s0;
	[dreg:$0x1b] =	wrdreg s1;
	s1 =	sshrl.u32 s23, $0x3  }
0x3a: {  	s26 =	sadd.s32 $0x8480, s0;
	s23 =	sshrl.u32 s22, $0x3;
	[dreg:$0x1c] =	wrdreg s1  }
0x3b: {  	s2 =	sadd.s32 $0x8500, s0;
	s1 =	sshrl.u32 s26, $0x3;
	[smem:$0x7B4] =	sst s23  }
0x3c: {  	s26 =	sadd.s32 $0x10380, s0;
	[dreg:$0x1e] =	wrdreg s1;
	s1 =	sshrl.u32 s2, $0x3  }
0x3d: {  	s6 =	sadd.s32 $0x8600, s0;
	s2 =	sshrl.u32 s26, $0x3;
	[dreg:$0x1f] =	wrdreg s1  }
0x3e: {  	s7 =	sadd.s32 $0x8680, s0;
	s1 =	sshrl.u32 s6, $0x3;
	[smem:$0x7B7] =	sst s2  }
0x3f: {  	s6 =	sadd.s32 $0x10500, s0;
	[smem:$0x7AC] =	sst s1;
	s1 =	sshrl.u32 s7, $0x3  }
0x40: {  	s15 =	sadd.s32 $0x8780, s0;
	s7 =	sshrl.u32 s6, $0x3;
	[smem:$0x7AD] =	sst s1  }
0x41: {  	s16 =	sadd.s32 $0x10000, s0;
	s1 =	sshrl.u32 s15, $0x3;
	[smem:$0x7BA] =	sst s7  }
0x42: {  	s15 =	sadd.s32 $0x10680, s0;
	[smem:$0x7AF] =	sst s1;
	s1 =	sshrl.u32 s16, $0x3  }
0x43: {  	s20 =	sadd.s32 $0x10100, s0;
	s16 =	sshrl.u32 s15, $0x3;
	[smem:$0x7B0] =	sst s1  }
0x44: {  	s21 =	sadd.s32 $0x10180, s0;
	s1 =	sshrl.u32 s20, $0x3;
	[smem:$0x7BD] =	sst s16  }
0x45: {  	s20 =	sadd.s32 $0x18000, s0;
	[smem:$0x7B2] =	sst s1;
	s1 =	sshrl.u32 s21, $0x3  }
0x46: {  	s21 =	sshrl.u32 s20, $0x3;
	[smem:$0x7B3] =	sst s1  }
0x47: {  	s24 =	sadd.s32 $0x10280, s0;
	s20 =	sshrl.u32 s0, $0x3;
	[smem:$0x7C0] =	sst s21  }
0x48: {  	s1 =	sshrl.u32 s24, $0x3;
	[smem:$0x7CD] =	sst s20  }
0x49: {  	s25 =	sadd.s32 $0x10300, s0;
	s20 =	sadd.s32 $0x780, s18;
	[smem:$0x7B5] =	sst s1  }
0x4a: {  	s24 =	sadd.s32 $0x18180, s0;
	s1 =	sshrl.u32 s25, $0x3;
	[smem:$0x7DE] =	sst s20  }
0x4b: {  	s25 =	sshrl.u32 s24, $0x3;
	[smem:$0x7B6] =	sst s1  }
0x4c: {  	s24 =	sadd.s32 $0xFFFFFFFF, s3;
	[smem:$0x7C3] =	sst s25  }
0x4d: {  	s3 =	sadd.s32 $0x200, s18;
	[dreg:$0x5] =	wrdreg s24  }
0x4e: {  	s4 =	sadd.s32 $0x10400, s0;
	s20 =	sadd.s32 $0x1100, s18;
	[smem:$0x7D4] =	sst s3  }
0x4f: {  	s1 =	sshrl.u32 s4, $0x3;
	[smem:$0x7F1] =	sst s20  }
0x50: {  	s25 =	sadd.s32 $0x80, s18;
	[smem:$0x7B8] =	sst s1  }
0x51: {  	s24 =	sadd.s32 $0xA00, s18;
	[smem:$0x7D0] =	sst s25  }
0x52: {  	s5 =	sadd.s32 $0x10480, s0;
	s3 =	sadd.s32 $0xC00, s18;
	[smem:$0x7E2] =	sst s24  }
0x53: {  	s4 =	sadd.s32 $0x18300, s0;
	s1 =	sshrl.u32 s5, $0x3;
	[smem:$0x7E7] =	sst s3  }
0x54: {  	s5 =	sshrl.u32 s4, $0x3;
	[smem:$0x7B9] =	sst s1  }
0x55: {  	s4 =	sadd.s32 $0x300, s18;
	[smem:$0x7C6] =	sst s5  }
0x56: {  	s25 =	sadd.s32 $0xA80, s18;
	[smem:$0x7D5] =	sst s4  }
0x57: {  	s8 =	sadd.s32 $0x10580, s0;
	s24 =	sadd.s32 $0x1300, s18;
	[smem:$0x7E3] =	sst s25  }
0x58: {  	s1 =	sshrl.u32 s8, $0x3;
	[smem:$0x7F5] =	sst s24  }
0x59: {  	s5 =	sadd.s32 $0x400, s18;
	[smem:$0x7BB] =	sst s1  }
0x5a: {  	s4 =	sadd.s32 $0xC80, s18;
	[smem:$0x7D6] =	sst s5  }
0x5b: {  	s10 =	sadd.s32 $0x10600, s0;
	s25 =	sadd.s32 $0x1380, s18;
	[smem:$0x7E8] =	sst s4  }
0x5c: {  	s8 =	sadd.s32 $0x18480, s0;
	s1 =	sshrl.u32 s10, $0x3;
	[smem:$0x7F6] =	sst s25  }
0x5d: {  	s10 =	sshrl.u32 s8, $0x3;
	[smem:$0x7BC] =	sst s1  }
0x5e: {  	s8 =	sadd.s32 $0x500, s18;
	[smem:$0x7C9] =	sst s10  }
0x5f: {  	s17 =	sadd.s32 $0x10700, s0;
	s5 =	sadd.s32 $0xD00, s18;
	[smem:$0x7D9] =	sst s8  }
0x60: {  	s1 =	sshrl.u32 s17, $0x3;
	[smem:$0x7E9] =	sst s5  }
0x61: {  	s10 =	sadd.s32 $0x600, s18;
	[smem:$0x7BE] =	sst s1  }
0x62: {  	s19 =	sadd.s32 $0x10780, s0;
	s8 =	sadd.s32 $0xD80, s18;
	[smem:$0x7DA] =	sst s10  }
0x63: {  	s17 =	sadd.s32 $0x18600, s0;
	s1 =	sshrl.u32 s19, $0x3;
	[smem:$0x7EC] =	sst s8  }
0x64: {  	s31 =	sadd.s32 $0x1E00, s18;
	s19 =	sshrl.u32 s17, $0x3;
	[smem:$0x7BF] =	sst s1  }
0x65: {  	s29 =	sadd.s32 $0x1C00, s18;
	s17 =	sadd.s32 $0x580, s18;
	[smem:$0x7CC] =	sst s19  }
0x66: {  	s22 =	sadd.s32 $0x18080, s0;
	s10 =	sadd.s32 $0xF00, s18;
	[smem:$0x7DC] =	sst s17  }
0x67: {  	s28 =	sadd.s32 $0x1F00, s18;
	s1 =	sshrl.u32 s22, $0x3;
	[smem:$0x7ED] =	sst s10  }
0x68: {  	s9 =	sadd.s32 $0xFFFE0000, s9;
	s19 =	sadd.s32 $0x700, s18;
	[smem:$0x7C1] =	sst s1  }
0x69: {  	s23 =	sadd.s32 $0x18100, s0;
	s17 =	sadd.s32 $0x1000, s18;
	[smem:$0x7DD] =	sst s19  }
0x6a: {  	s22 =	sadd.s32 $0x18700, s0;
	s1 =	sshrl.u32 s23, $0x3;
	[smem:$0x7EF] =	sst s17  }
0x6b: {  	s26 =	sadd.s32 $0x18200, s0;
	s23 =	sshrl.u32 s22, $0x3;
	[smem:$0x7C2] =	sst s1  }
0x6c: {  	s2 =	sadd.s32 $0x18280, s0;
	s22 =	sadd.s32 $0x880, s18;
	[smem:$0x7CF] =	sst s23  }
0x6d: {  	s6 =	sadd.s32 $0x18380, s0;
	s19 =	sadd.s32 $0x1080, s18;
	[smem:$0x7E0] =	sst s22  }
0x6e: {  	s7 =	sadd.s32 $0x18400, s0;
	s1 =	sshrl.u32 s26, $0x3;
	[smem:$0x7F0] =	sst s19  }
0x6f: {  	s15 =	sadd.s32 $0x18500, s0;
	s26 =	sadd.s32 $0x180, s18;
	[smem:$0x7C4] =	sst s1  }
0x70: {  	s16 =	sadd.s32 $0x18580, s0;
	s23 =	sadd.s32 $0x900, s18;
	[smem:$0x7D1] =	sst s26  }
0x71: {  	s21 =	sadd.s32 $0x18680, s0;
	s22 =	sadd.s32 $0x1200, s18;
	[smem:$0x7E1] =	sst s23  }
0x72: {  	s20 =	sadd.s32 $0x1B00, s18;
	s1 =	sshrl.u32 s2, $0x3;
	[smem:$0x7F3] =	sst s22  }
0x73: {  	s3 =	sadd.s32 $0x1900, s18;
	s2 =	sadd.s32 $0x280, s18;
	[smem:$0x7C5] =	sst s1  }
0x74: {  	s24 =	sadd.s32 $0x1A80, s18;
	s26 =	sadd.s32 $0x980, s18;
	[smem:$0x7D3] =	sst s2  }
0x75: {  	s4 =	sadd.s32 $0x1680, s18;
	s23 =	sadd.s32 $0x1280, s18;
	[smem:$0x7E4] =	sst s26  }
0x76: {  	s25 =	sadd.s32 $0x1E80, s18;
	s1 =	sshrl.u32 s6, $0x3;
	[smem:$0x7F4] =	sst s23  }
0x77: {  	s5 =	sadd.s32 $0x1580, s18;
	s6 =	sadd.s32 $0x480, s18;
	[smem:$0x7C7] =	sst s1  }
0x78: {  	s8 =	sadd.s32 $0x1780, s18;
	s2 =	sadd.s32 $0xB80, s18;
	[smem:$0x7D7] =	sst s6  }
0x79: {  	s0 =	sadd.s32 $0x18780, s0;
	s26 =	sadd.s32 $0x1400, s18;
	[smem:$0x7E6] =	sst s2  }
0x7a: {  	s10 =	sadd.s32 $0x1600, s18;
	s1 =	sshrl.u32 s7, $0x3;
	[smem:$0x7F7] =	sst s26  }
0x7b: {  	s30 =	sshrl.u32 s0, $0x3;
	s7 =	sadd.s32 $0x380, s18;
	[smem:$0x7C8] =	sst s1  }
0x7c: {  	s0 =	sadd.s32 $0x1480, s18;
	s6 =	sadd.s32 $0xE00, s18;
	[smem:$0x7D8] =	sst s7  }
0x7d: {  	s17 =	sadd.s32 $0x1C80, s18;
	s1 =	sshrl.u32 s15, $0x3;
	[smem:$0x7EA] =	sst s6  }
0x7e: {  	s19 =	sadd.s32 $0x1880, s18;
	s15 =	sadd.s32 $0x680, s18;
	[smem:$0x7CA] =	sst s1  }
0x7f: {  	s22 =	sadd.s32 $0x1B80, s18;
	s7 =	sadd.s32 $0xE80, s18;
	[smem:$0x7DB] =	sst s15  }
0x80: {  	s23 =	sadd.s32 $0x1D00, s18;
	s1 =	sshrl.u32 s16, $0x3;
	[smem:$0x7EB] =	sst s7  }
0x81: {  	s2 =	sadd.s32 $0x1500, s18;
	s15 =	sadd.s32 $0xF80, s18;
	[smem:$0x7CB] =	sst s1  }
0x82: {  	s26 =	sadd.s32 $0x1D80, s18;
	s1 =	sshrl.u32 s21, $0x3;
	[smem:$0x7EE] =	sst s15  }
0x83: {  	s6 =	sadd.s32 $0x1800, s18;
	s21 =	sadd.s32 $0x800, s18;
	[smem:$0x7CE] =	sst s1  }
0x84: {  	s16 =	simm.s32 $0x2000;
	s1 =	sadd.s32 $0x100, s18;
	[smem:$0x7DF] =	sst s21  }
0x85: {  	s7 =	sadd.s32 $0x1700, s18;
	s21 =	sadd.s32 $0x1180, s18;
	[smem:$0x7D2] =	sst s1  }
0x86: {  	s15 =	sadd.s32 $0x1F80, s18;
	s1 =	sadd.s32 $0xB00, s18;
	[smem:$0x7F2] =	sst s21  }
0x87: {  	s21 =	sadd.s32 $0x1A00, s18;
	[smem:$0x7E5] =	sst s1;
	s1 =	sadd.s32 $0x1980, s18  }
.LBB2_2:
0x88: {  	[smem:$0x7A9] =	sst s30  }
0x89: {  	s30 =	sld [smem:$0x7CD];
	_ =	sdelay $0x2  }
0x8a: {  	[hbm:s18@s13], [sflag:s11] =	dma.strided [spmem:s30@s14], $0x80, s12, $0x10   }
0x8b: {  	s30 =	sld [smem:$0x7D0];
	_ =	sdelay $0x1  }
0x8c: {  	s18 =	rddreg [dreg:$0x6]  }
0x8d: {  	[hbm:s30@s13], [sflag:s11] =	dma.strided [spmem:s18@s14], $0x80, s12, $0x10   }
0x8e: {  	s30 =	sld [smem:$0x7D2];
	_ =	sdelay $0x1  }
0x8f: {  	s18 =	rddreg [dreg:$0x7]  }
0x90: {  	[hbm:s30@s13], [sflag:s11] =	dma.strided [spmem:s18@s14], $0x80, s12, $0x10   }
0x91: {  	s30 =	sld [smem:$0x7D1];
	_ =	sdelay $0x1  }
0x92: {  	s18 =	rddreg [dreg:$0x8]  }
0x93: {  	[hbm:s30@s13], [sflag:s11] =	dma.strided [spmem:s18@s14], $0x80, s12, $0x10   }
0x94: {  	s30 =	sld [smem:$0x7D4];
	_ =	sdelay $0x1  }
0x95: {  	s18 =	rddreg [dreg:$0x9]  }
0x96: {  	[hbm:s30@s13], [sflag:s11] =	dma.strided [spmem:s18@s14], $0x80, s12, $0x10   }
0x97: {  	s30 =	sld [smem:$0x7D3];
	_ =	sdelay $0x1  }
0x98: {  	s18 =	rddreg [dreg:$0xa]  }
0x99: {  	[hbm:s30@s13], [sflag:s11] =	dma.strided [spmem:s18@s14], $0x80, s12, $0x10   }
0x9a: {  	s30 =	sld [smem:$0x7D5];
	_ =	sdelay $0x1  }
0x9b: {  	s18 =	rddreg [dreg:$0xb]  }
0x9c: {  	[hbm:s30@s13], [sflag:s11] =	dma.strided [spmem:s18@s14], $0x80, s12, $0x10   }
0x9d: {  	s30 =	sld [smem:$0x7D8];
	_ =	sdelay $0x1  }
0x9e: {  	s18 =	rddreg [dreg:$0xc]  }
0x9f: {  	[hbm:s30@s13], [sflag:s11] =	dma.strided [spmem:s18@s14], $0x80, s12, $0x10   }
0xa0: {  	s30 =	sld [smem:$0x7D6];
	_ =	sdelay $0x1  }
0xa1: {  	s18 =	rddreg [dreg:$0xd]  }
0xa2: {  	[hbm:s30@s13], [sflag:s11] =	dma.strided [spmem:s18@s14], $0x80, s12, $0x10   }
0xa3: {  	s30 =	sld [smem:$0x7D7];
	_ =	sdelay $0x1  }
0xa4: {  	s18 =	rddreg [dreg:$0xe]  }
0xa5: {  	[hbm:s30@s13], [sflag:s11] =	dma.strided [spmem:s18@s14], $0x80, s12, $0x10   }
0xa6: {  	s30 =	sld [smem:$0x7D9];
	_ =	sdelay $0x1  }
0xa7: {  	s18 =	rddreg [dreg:$0xf]  }
0xa8: {  	[hbm:s30@s13], [sflag:s11] =	dma.strided [spmem:s18@s14], $0x80, s12, $0x10   }
0xa9: {  	s30 =	sld [smem:$0x7DC];
	_ =	sdelay $0x1  }
0xaa: {  	s18 =	rddreg [dreg:$0x10]  }
0xab: {  	[hbm:s30@s13], [sflag:s11] =	dma.strided [spmem:s18@s14], $0x80, s12, $0x10   }
0xac: {  	s30 =	sld [smem:$0x7DA];
	_ =	sdelay $0x1  }
0xad: {  	s18 =	rddreg [dreg:$0x11]  }
0xae: {  	[hbm:s30@s13], [sflag:s11] =	dma.strided [spmem:s18@s14], $0x80, s12, $0x10   }
0xaf: {  	s30 =	sld [smem:$0x7DB];
	_ =	sdelay $0x1  }
0xb0: {  	s18 =	rddreg [dreg:$0x12]  }
0xb1: {  	[hbm:s30@s13], [sflag:s11] =	dma.strided [spmem:s18@s14], $0x80, s12, $0x10   }
0xb2: {  	s30 =	sld [smem:$0x7DD];
	_ =	sdelay $0x1  }
0xb3: {  	s18 =	rddreg [dreg:$0x13]  }
0xb4: {  	[hbm:s30@s13], [sflag:s11] =	dma.strided [spmem:s18@s14], $0x80, s12, $0x10   }
0xb5: {  	s30 =	sld [smem:$0x7DE];
	_ =	sdelay $0x1  }
0xb6: {  	s18 =	rddreg [dreg:$0x14]  }
0xb7: {  	[hbm:s30@s13], [sflag:s11] =	dma.strided [spmem:s18@s14], $0x80, s12, $0x10   }
0xb8: {  	s30 =	sld [smem:$0x7DF];
	_ =	sdelay $0x1  }
0xb9: {  	s18 =	rddreg [dreg:$0x15]  }
0xba: {  	[hbm:s30@s13], [sflag:s11] =	dma.strided [spmem:s18@s14], $0x80, s12, $0x10   }
0xbb: {  	s30 =	sld [smem:$0x7E0];
	_ =	sdelay $0x1  }
0xbc: {  	s18 =	rddreg [dreg:$0x16]  }
0xbd: {  	[hbm:s30@s13], [sflag:s11] =	dma.strided [spmem:s18@s14], $0x80, s12, $0x10   }
0xbe: {  	s30 =	sld [smem:$0x7E1];
	_ =	sdelay $0x1  }
0xbf: {  	s18 =	rddreg [dreg:$0x17]  }
0xc0: {  	[hbm:s30@s13], [sflag:s11] =	dma.strided [spmem:s18@s14], $0x80, s12, $0x10   }
0xc1: {  	s30 =	sld [smem:$0x7E4];
	_ =	sdelay $0x1  }
0xc2: {  	s18 =	rddreg [dreg:$0x18]  }
0xc3: {  	[hbm:s30@s13], [sflag:s11] =	dma.strided [spmem:s18@s14], $0x80, s12, $0x10   }
0xc4: {  	s30 =	sld [smem:$0x7E2];
	_ =	sdelay $0x1  }
0xc5: {  	s18 =	rddreg [dreg:$0x19]  }
0xc6: {  	[hbm:s30@s13], [sflag:s11] =	dma.strided [spmem:s18@s14], $0x80, s12, $0x10   }
0xc7: {  	s30 =	sld [smem:$0x7E3];
	_ =	sdelay $0x1  }
0xc8: {  	s18 =	rddreg [dreg:$0x1a]  }
0xc9: {  	[hbm:s30@s13], [sflag:s11] =	dma.strided [spmem:s18@s14], $0x80, s12, $0x10   }
0xca: {  	s30 =	sld [smem:$0x7E5];
	_ =	sdelay $0x1  }
0xcb: {  	s18 =	rddreg [dreg:$0x1b]  }
0xcc: {  	[hbm:s30@s13], [sflag:s11] =	dma.strided [spmem:s18@s14], $0x80, s12, $0x10   }
0xcd: {  	s30 =	sld [smem:$0x7E6];
	_ =	sdelay $0x1  }
0xce: {  	s18 =	rddreg [dreg:$0x1c]  }
0xcf: {  	[hbm:s30@s13], [sflag:s11] =	dma.strided [spmem:s18@s14], $0x80, s12, $0x10   }
0xd0: {  	s30 =	sld [smem:$0x7E7];
	_ =	sdelay $0x1  }
0xd1: {  	s18 =	rddreg [dreg:$0x1d]  }
0xd2: {  	[hbm:s30@s13], [sflag:s11] =	dma.strided [spmem:s18@s14], $0x80, s12, $0x10   }
0xd3: {  	s30 =	sld [smem:$0x7E8];
	_ =	sdelay $0x1  }
0xd4: {  	s18 =	rddreg [dreg:$0x1e]  }
0xd5: {  	[hbm:s30@s13], [sflag:s11] =	dma.strided [spmem:s18@s14], $0x80, s12, $0x10   }
0xd6: {  	s30 =	sld [smem:$0x7E9];
	_ =	sdelay $0x1  }
0xd7: {  	s18 =	rddreg [dreg:$0x1f]  }
0xd8: {  	[hbm:s30@s13], [sflag:s11] =	dma.strided [spmem:s18@s14], $0x80, s12, $0x10   }
0xd9: {  	s18 =	sld [smem:$0x7AB]  }
0xda: {  	s30 =	sld [smem:$0x7EC];
	_ =	sdelay $0x2  }
0xdb: {  	[hbm:s30@s13], [sflag:s11] =	dma.strided [spmem:s18@s14], $0x80, s12, $0x10   }
0xdc: {  	s18 =	sld [smem:$0x7AC]  }
0xdd: {  	s30 =	sld [smem:$0x7EA];
	_ =	sdelay $0x2  }
0xde: {  	[hbm:s30@s13], [sflag:s11] =	dma.strided [spmem:s18@s14], $0x80, s12, $0x10   }
0xdf: {  	s18 =	sld [smem:$0x7AD]  }
0xe0: {  	s30 =	sld [smem:$0x7EB];
	_ =	sdelay $0x2  }
0xe1: {  	[hbm:s30@s13], [sflag:s11] =	dma.strided [spmem:s18@s14], $0x80, s12, $0x10   }
0xe2: {  	s18 =	sld [smem:$0x7AE]  }
0xe3: {  	s30 =	sld [smem:$0x7ED];
	_ =	sdelay $0x2  }
0xe4: {  	[hbm:s30@s13], [sflag:s11] =	dma.strided [spmem:s18@s14], $0x80, s12, $0x10   }
0xe5: {  	s18 =	sld [smem:$0x7AF]  }
0xe6: {  	s30 =	sld [smem:$0x7EE];
	_ =	sdelay $0x2  }
0xe7: {  	[hbm:s30@s13], [sflag:s11] =	dma.strided [spmem:s18@s14], $0x80, s12, $0x10   }
0xe8: {  	s18 =	sld [smem:$0x7B0]  }
0xe9: {  	s30 =	sld [smem:$0x7EF];
	_ =	sdelay $0x2  }
0xea: {  	[hbm:s30@s13], [sflag:s11] =	dma.strided [spmem:s18@s14], $0x80, s12, $0x10   }
0xeb: {  	s18 =	sld [smem:$0x7B1]  }
0xec: {  	s30 =	sld [smem:$0x7F0];
	_ =	sdelay $0x2  }
0xed: {  	[hbm:s30@s13], [sflag:s11] =	dma.strided [spmem:s18@s14], $0x80, s12, $0x10   }
0xee: {  	s18 =	sld [smem:$0x7B2]  }
0xef: {  	s30 =	sld [smem:$0x7F1];
	_ =	sdelay $0x2  }
0xf0: {  	[hbm:s30@s13], [sflag:s11] =	dma.strided [spmem:s18@s14], $0x80, s12, $0x10   }
0xf1: {  	s18 =	sld [smem:$0x7B3]  }
0xf2: {  	s30 =	sld [smem:$0x7F2];
	_ =	sdelay $0x2  }
0xf3: {  	[hbm:s30@s13], [sflag:s11] =	dma.strided [spmem:s18@s14], $0x80, s12, $0x10   }
0xf4: {  	s18 =	sld [smem:$0x7B4]  }
0xf5: {  	s30 =	sld [smem:$0x7F3];
	_ =	sdelay $0x2  }
0xf6: {  	[hbm:s30@s13], [sflag:s11] =	dma.strided [spmem:s18@s14], $0x80, s12, $0x10   }
0xf7: {  	s18 =	sld [smem:$0x7B5]  }
0xf8: {  	s30 =	sld [smem:$0x7F4];
	_ =	sdelay $0x2  }
0xf9: {  	[hbm:s30@s13], [sflag:s11] =	dma.strided [spmem:s18@s14], $0x80, s12, $0x10   }
0xfa: {  	s18 =	sld [smem:$0x7B6]  }
0xfb: {  	s30 =	sld [smem:$0x7F5];
	_ =	sdelay $0x2  }
0xfc: {  	[hbm:s30@s13], [sflag:s11] =	dma.strided [spmem:s18@s14], $0x80, s12, $0x10   }
0xfd: {  	s18 =	sld [smem:$0x7B7]  }
0xfe: {  	s30 =	sld [smem:$0x7F6];
	_ =	sdelay $0x2  }
0xff: {  	[hbm:s30@s13], [sflag:s11] =	dma.strided [spmem:s18@s14], $0x80, s12, $0x10   }
0x100: {  	s18 =	sld [smem:$0x7B8]  }
0x101: {  	s30 =	sld [smem:$0x7F7];
	_ =	sdelay $0x2  }
0x102: {  	[hbm:s30@s13], [sflag:s11] =	dma.strided [spmem:s18@s14], $0x80, s12, $0x10   }
0x103: {  	s18 =	sld [smem:$0x7B9];
	_ =	sdelay $0x2  }
0x104: {  	[hbm:s0@s13], [sflag:s11] =	dma.strided [spmem:s18@s14], $0x80, s12, $0x10   }
0x105: {  	s0 =	sld [smem:$0x7BA];
	_ =	sdelay $0x2  }
0x106: {  	[hbm:s2@s13], [sflag:s11] =	dma.strided [spmem:s0@s14], $0x80, s12, $0x10   }
0x107: {  	s0 =	sld [smem:$0x7BB];
	_ =	sdelay $0x2  }
0x108: {  	[hbm:s5@s13], [sflag:s11] =	dma.strided [spmem:s0@s14], $0x80, s12, $0x10   }
0x109: {  	s0 =	sld [smem:$0x7BC];
	_ =	sdelay $0x2  }
0x10a: {  	[hbm:s10@s13], [sflag:s11] =	dma.strided [spmem:s0@s14], $0x80, s12, $0x10   }
0x10b: {  	s0 =	sld [smem:$0x7BD];
	_ =	sdelay $0x2  }
0x10c: {  	[hbm:s4@s13], [sflag:s11] =	dma.strided [spmem:s0@s14], $0x80, s12, $0x10   }
0x10d: {  	s0 =	sld [smem:$0x7BE];
	_ =	sdelay $0x2  }
0x10e: {  	[hbm:s7@s13], [sflag:s11] =	dma.strided [spmem:s0@s14], $0x80, s12, $0x10   }
0x10f: {  	s0 =	sld [smem:$0x7BF];
	_ =	sdelay $0x2  }
0x110: {  	[hbm:s8@s13], [sflag:s11] =	dma.strided [spmem:s0@s14], $0x80, s12, $0x10   }
0x111: {  	s0 =	sld [smem:$0x7C0];
	_ =	sdelay $0x2  }
0x112: {  	[hbm:s6@s13], [sflag:s11] =	dma.strided [spmem:s0@s14], $0x80, s12, $0x10   }
0x113: {  	s0 =	sld [smem:$0x7C1];
	_ =	sdelay $0x2  }
0x114: {  	[hbm:s19@s13], [sflag:s11] =	dma.strided [spmem:s0@s14], $0x80, s12, $0x10   }
0x115: {  	s0 =	sld [smem:$0x7C2];
	_ =	sdelay $0x2  }
0x116: {  	[hbm:s3@s13], [sflag:s11] =	dma.strided [spmem:s0@s14], $0x80, s12, $0x10   }
0x117: {  	s0 =	sld [smem:$0x7C3];
	_ =	sdelay $0x2  }
0x118: {  	[hbm:s1@s13], [sflag:s11] =	dma.strided [spmem:s0@s14], $0x80, s12, $0x10   }
0x119: {  	s0 =	sld [smem:$0x7C4];
	_ =	sdelay $0x2  }
0x11a: {  	[hbm:s21@s13], [sflag:s11] =	dma.strided [spmem:s0@s14], $0x80, s12, $0x10   }
0x11b: {  	s0 =	sld [smem:$0x7C5];
	_ =	sdelay $0x2  }
0x11c: {  	[hbm:s24@s13], [sflag:s11] =	dma.strided [spmem:s0@s14], $0x80, s12, $0x10   }
0x11d: {  	s0 =	sld [smem:$0x7C6];
	_ =	sdelay $0x2  }
0x11e: {  	[hbm:s20@s13], [sflag:s11] =	dma.strided [spmem:s0@s14], $0x80, s12, $0x10   }
0x11f: {  	s0 =	sld [smem:$0x7C7];
	_ =	sdelay $0x2  }
0x120: {  	[hbm:s22@s13], [sflag:s11] =	dma.strided [spmem:s0@s14], $0x80, s12, $0x10   }
0x121: {  	s0 =	sld [smem:$0x7C8];
	_ =	sdelay $0x2  }
0x122: {  	[hbm:s29@s13], [sflag:s11] =	dma.strided [spmem:s0@s14], $0x80, s12, $0x10   }
0x123: {  	s0 =	sld [smem:$0x7C9];
	_ =	sdelay $0x2  }
0x124: {  	[hbm:s17@s13], [sflag:s11] =	dma.strided [spmem:s0@s14], $0x80, s12, $0x10   }
0x125: {  	s0 =	sld [smem:$0x7CA];
	_ =	sdelay $0x2  }
0x126: {  	[hbm:s23@s13], [sflag:s11] =	dma.strided [spmem:s0@s14], $0x80, s12, $0x10   }
0x127: {  	s0 =	sld [smem:$0x7CB];
	_ =	sdelay $0x2  }
0x128: {  	[hbm:s26@s13], [sflag:s11] =	dma.strided [spmem:s0@s14], $0x80, s12, $0x10   }
0x129: {  	s0 =	sld [smem:$0x7CC];
	_ =	sdelay $0x2  }
0x12a: {  	[hbm:s31@s13], [sflag:s11] =	dma.strided [spmem:s0@s14], $0x80, s12, $0x10   }
0x12b: {  	s0 =	sld [smem:$0x7CE];
	_ =	sdelay $0x2  }
0x12c: {  	[hbm:s25@s13], [sflag:s11] =	dma.strided [spmem:s0@s14], $0x80, s12, $0x10   }
0x12d: {  	s0 =	sld [smem:$0x7CF];
	_ =	sdelay $0x2  }
0x12e: {  	[hbm:s28@s13], [sflag:s11] =	dma.strided [spmem:s0@s14], $0x80, s12, $0x10   }
0x12f: {  	s0 =	sld [smem:$0x7A9];
	_ =	sdelay $0x2  }
0x130: {  	[hbm:s15@s13], [sflag:s11] =	dma.strided [spmem:s0@s14], $0x80, s12, $0x10   }
0x131: {  	s22 =	rddreg [dreg:$0x4]  }
0x132: {  	s21 =	smov.u32 s16;
	s24 =	rddreg [dreg:$0x5]  }
0x133: {  	s26 =	rddreg [dreg:$0x2];
	s4 =	sadd.s32 $0xFFFFFFFF, s24;
	s18 =	sadd.s32 s21, s22  }
0x134: {  	[dreg:$0x5] =	wrdreg s4;
	s19 =	sadd.s32 $0x80, s18  }
0x135: {  	s20 =	sadd.s32 $0x180, s18;
	[smem:$0x7D0] =	sst s19  }
0x136: {  	s23 =	sand.u32 $0xE0000, s9;
	s21 =	sadd.s32 $0x100, s18;
	[smem:$0x7D1] =	sst s20  }
0x137: {  	s25 =	sand.u32 $0x7F8, s24;
	s24 =	sadd.s32 $0x280, s18;
	[smem:$0x7D2] =	sst s21  }
0x138: {  	s2 =	sadd.s32 s23, s26;
	s26 =	sadd.s32 $0x200, s18;
	[smem:$0x7D3] =	sst s24  }
0x139: {  	s3 =	sadd.s32 $0x300, s18;
	[smem:$0x7D4] =	sst s26  }
0x13a: {  	s15 =	sadd.s32 s25, s2;
	s5 =	sadd.s32 $0x400, s18;
	[smem:$0x7D5] =	sst s3  }
0x13b: {  	s6 =	sshrl.u32 s15, $0x3;
	[smem:$0x7D6] =	sst s5  }
0x13c: {  	s19 =	sadd.s32 $0x500, s18;
	[smem:$0x7CD] =	sst s6  }
0x13d: {  	s7 =	sadd.s32 $0x80, s15;
	s21 =	sadd.s32 $0x600, s18;
	[smem:$0x7D9] =	sst s19  }
0x13e: {  	s17 =	sadd.s32 $0x200, s15;
	s0 =	sshrl.u32 s7, $0x3;
	[smem:$0x7DA] =	sst s21  }
0x13f: {  	s22 =	sshrl.u32 s17, $0x3;
	[dreg:$0x6] =	wrdreg s0  }
0x140: {  	s28 =	sadd.s32 $0x18680, s15;
	s7 =	sadd.s32 $0x480, s18;
	[dreg:$0x9] =	wrdreg s22  }
0x141: {  	s30 =	sadd.s32 $0x18700, s15;
	s28 =	sshrl.u32 s28, $0x3;
	[smem:$0x7D7] =	sst s7  }
0x142: {  	s8 =	sadd.s32 $0x100, s15;
	s30 =	sshrl.u32 s30, $0x3;
	[smem:$0x7CE] =	sst s28  }
0x143: {  	s10 =	sadd.s32 $0x180, s15;
	s0 =	sshrl.u32 s8, $0x3;
	[smem:$0x7CF] =	sst s30  }
0x144: {  	[dreg:$0x7] =	wrdreg s0;
	s0 =	sshrl.u32 s10, $0x3  }
0x145: {  	s23 =	sadd.s32 $0x280, s15;
	s10 =	sadd.s32 $0x380, s18;
	[dreg:$0x8] =	wrdreg s0  }
0x146: {  	s0 =	sshrl.u32 s23, $0x3;
	[smem:$0x7D8] =	sst s10  }
0x147: {  	s25 =	sadd.s32 $0x300, s15;
	s23 =	sadd.s32 $0x680, s18;
	[dreg:$0xa] =	wrdreg s0  }
0x148: {  	s0 =	sshrl.u32 s25, $0x3;
	[smem:$0x7DB] =	sst s23  }
0x149: {  	s2 =	sadd.s32 $0x380, s15;
	s25 =	sadd.s32 $0x580, s18;
	[dreg:$0xb] =	wrdreg s0  }
0x14a: {  	s0 =	sshrl.u32 s2, $0x3;
	[smem:$0x7DC] =	sst s25  }
0x14b: {  	s4 =	sadd.s32 $0x400, s15;
	s2 =	sadd.s32 $0x700, s18;
	[dreg:$0xc] =	wrdreg s0  }
0x14c: {  	s0 =	sshrl.u32 s4, $0x3;
	[smem:$0x7DD] =	sst s2  }
0x14d: {  	s6 =	sadd.s32 $0x480, s15;
	s4 =	sadd.s32 $0x780, s18;
	[dreg:$0xd] =	wrdreg s0  }
0x14e: {  	s0 =	sshrl.u32 s6, $0x3;
	[smem:$0x7DE] =	sst s4  }
0x14f: {  	s8 =	sadd.s32 $0x500, s15;
	s6 =	sadd.s32 $0x800, s18;
	[dreg:$0xe] =	wrdreg s0  }
0x150: {  	s0 =	sshrl.u32 s8, $0x3;
	[smem:$0x7DF] =	sst s6  }
0x151: {  	s17 =	sadd.s32 $0x580, s15;
	s8 =	sadd.s32 $0x880, s18;
	[dreg:$0xf] =	wrdreg s0  }
0x152: {  	p0 =	sne.s32 s16, $0x7E000;
	s0 =	sshrl.u32 s17, $0x3;
	[smem:$0x7E0] =	sst s8  }
0x153: {  	s20 =	sadd.s32 $0x600, s15;
	s17 =	sadd.s32 $0x900, s18;
	[dreg:$0x10] =	wrdreg s0  }
0x154: {  	s16 =	sadd.s32 $0x2000, s16;
	s0 =	sshrl.u32 s20, $0x3;
	[smem:$0x7E1] =	sst s17  }
0x155: {  	s22 =	sadd.s32 $0x680, s15;
	s20 =	sadd.s32 $0xA00, s18;
	[dreg:$0x11] =	wrdreg s0  }
0x156: {  	s9 =	sadd.s32 $0xFFFE0000, s9;
	s0 =	sshrl.u32 s22, $0x3;
	[smem:$0x7E2] =	sst s20  }
0x157: {  	s24 =	sadd.s32 $0x700, s15;
	s22 =	sadd.s32 $0xA80, s18;
	[dreg:$0x12] =	wrdreg s0  }
0x158: {  	s31 =	sadd.s32 $0x1E00, s18;
	s0 =	sshrl.u32 s24, $0x3;
	[smem:$0x7E3] =	sst s22  }
0x159: {  	s26 =	sadd.s32 $0x780, s15;
	s24 =	sadd.s32 $0x980, s18;
	[dreg:$0x13] =	wrdreg s0  }
0x15a: {  	s29 =	sadd.s32 $0x1C00, s18;
	s0 =	sshrl.u32 s26, $0x3;
	[smem:$0x7E4] =	sst s24  }
0x15b: {  	s3 =	sadd.s32 $0x8000, s15;
	s26 =	sadd.s32 $0xB00, s18;
	[dreg:$0x14] =	wrdreg s0  }
0x15c: {  	s5 =	sadd.s32 $0x8080, s15;
	s0 =	sshrl.u32 s3, $0x3;
	[smem:$0x7E5] =	sst s26  }
0x15d: {  	s19 =	sadd.s32 $0x8200, s15;
	s3 =	sadd.s32 $0xB80, s18;
	[dreg:$0x15] =	wrdreg s0  }
0x15e: {  	s21 =	sadd.s32 $0x8280, s15;
	s0 =	sshrl.u32 s5, $0x3;
	[smem:$0x7E6] =	sst s3  }
0x15f: {  	s7 =	sadd.s32 $0x8100, s15;
	s5 =	sadd.s32 $0xC00, s18;
	[dreg:$0x16] =	wrdreg s0  }
0x160: {  	s28 =	sadd.s32 $0x1F00, s18;
	s0 =	sshrl.u32 s7, $0x3;
	[smem:$0x7E7] =	sst s5  }
0x161: {  	s10 =	sadd.s32 $0x8180, s15;
	s7 =	sadd.s32 $0xC80, s18;
	[dreg:$0x17] =	wrdreg s0  }
0x162: {  	s30 =	sadd.s32 $0x18780, s15;
	s0 =	sshrl.u32 s10, $0x3;
	[smem:$0x7E8] =	sst s7  }
0x163: {  	s30 =	sshrl.u32 s30, $0x3;
	s10 =	sadd.s32 $0xD00, s18;
	[dreg:$0x18] =	wrdreg s0  }
0x164: {  	s23 =	sadd.s32 $0x8300, s15;
	s0 =	sshrl.u32 s19, $0x3;
	[smem:$0x7E9] =	sst s10  }
0x165: {  	s25 =	sadd.s32 $0x8380, s15;
	s19 =	sadd.s32 $0xE00, s18;
	[dreg:$0x19] =	wrdreg s0  }
0x166: {  	s2 =	sadd.s32 $0x8400, s15;
	s0 =	sshrl.u32 s21, $0x3;
	[smem:$0x7EA] =	sst s19  }
0x167: {  	s4 =	sadd.s32 $0x8480, s15;
	s21 =	sadd.s32 $0xE80, s18;
	[dreg:$0x1a] =	wrdreg s0  }
0x168: {  	s6 =	sadd.s32 $0x8500, s15;
	s0 =	sshrl.u32 s23, $0x3;
	[smem:$0x7EB] =	sst s21  }
0x169: {  	s8 =	sadd.s32 $0x8580, s15;
	s23 =	sadd.s32 $0xD80, s18;
	[dreg:$0x1b] =	wrdreg s0  }
0x16a: {  	s17 =	sadd.s32 $0x8600, s15;
	s0 =	sshrl.u32 s25, $0x3;
	[smem:$0x7EC] =	sst s23  }
0x16b: {  	s20 =	sadd.s32 $0x8680, s15;
	s25 =	sadd.s32 $0xF00, s18;
	[dreg:$0x1c] =	wrdreg s0  }
0x16c: {  	s22 =	sadd.s32 $0x8700, s15;
	s0 =	sshrl.u32 s2, $0x3;
	[smem:$0x7ED] =	sst s25  }
0x16d: {  	s24 =	sadd.s32 $0x8780, s15;
	s2 =	sadd.s32 $0xF80, s18;
	[dreg:$0x1d] =	wrdreg s0  }
0x16e: {  	s26 =	sadd.s32 $0x10000, s15;
	s0 =	sshrl.u32 s4, $0x3;
	[smem:$0x7EE] =	sst s2  }
0x16f: {  	s3 =	sadd.s32 $0x10080, s15;
	s4 =	sadd.s32 $0x1000, s18;
	[dreg:$0x1e] =	wrdreg s0  }
0x170: {  	s5 =	sadd.s32 $0x10100, s15;
	s0 =	sshrl.u32 s6, $0x3;
	[smem:$0x7EF] =	sst s4  }
0x171: {  	s7 =	sadd.s32 $0x10180, s15;
	s6 =	sadd.s32 $0x1080, s18;
	[dreg:$0x1f] =	wrdreg s0  }
0x172: {  	s10 =	sadd.s32 $0x10200, s15;
	s0 =	sshrl.u32 s8, $0x3;
	[smem:$0x7F0] =	sst s6  }
0x173: {  	s4 =	sadd.s32 $0x10500, s15;
	s8 =	sadd.s32 $0x1100, s18;
	[smem:$0x7AB] =	sst s0  }
0x174: {  	s19 =	sadd.s32 $0x10280, s15;
	s1 =	sshrl.u32 s4, $0x3;
	[smem:$0x7F1] =	sst s8  }
0x175: {  	s21 =	sadd.s32 $0x10300, s15;
	s0 =	sshrl.u32 s17, $0x3;
	[smem:$0x7BA] =	sst s1  }
0x176: {  	s23 =	sadd.s32 $0x10380, s15;
	s17 =	sadd.s32 $0x1180, s18;
	[smem:$0x7AC] =	sst s0  }
0x177: {  	s25 =	sadd.s32 $0x10400, s15;
	s0 =	sshrl.u32 s20, $0x3;
	[smem:$0x7F2] =	sst s17  }
0x178: {  	s2 =	sadd.s32 $0x10480, s15;
	s20 =	sadd.s32 $0x1200, s18;
	[smem:$0x7AD] =	sst s0  }
0x179: {  	s6 =	sadd.s32 $0x10600, s15;
	s0 =	sshrl.u32 s22, $0x3;
	[smem:$0x7F3] =	sst s20  }
0x17a: {  	s4 =	sadd.s32 $0x1680, s18;
	s22 =	sadd.s32 $0x1280, s18;
	[smem:$0x7AE] =	sst s0  }
0x17b: {  	s8 =	sadd.s32 $0x10700, s15;
	s0 =	sshrl.u32 s24, $0x3;
	[smem:$0x7F4] =	sst s22  }
0x17c: {  	s17 =	sadd.s32 $0x10780, s15;
	s24 =	sadd.s32 $0x1300, s18;
	[smem:$0x7AF] =	sst s0  }
0x17d: {  	s20 =	sadd.s32 $0x18080, s15;
	s0 =	sshrl.u32 s26, $0x3;
	[smem:$0x7F5] =	sst s24  }
0x17e: {  	s22 =	sadd.s32 $0x18180, s15;
	s26 =	sadd.s32 $0x1380, s18;
	[smem:$0x7B0] =	sst s0  }
0x17f: {  	s24 =	sadd.s32 $0x18280, s15;
	s0 =	sshrl.u32 s3, $0x3;
	[smem:$0x7F6] =	sst s26  }
0x180: {  	s3 =	sadd.s32 $0x1400, s18;
	s26 =	sadd.s32 $0x18380, s15;
	[smem:$0x7B1] =	sst s0  }
0x181: {  	s0 =	sshrl.u32 s5, $0x3;
	[smem:$0x7F7] =	sst s3;
	s5 =	sadd.s32 $0x10580, s15  }
0x182: {  	s3 =	sadd.s32 $0x1900, s18;
	[smem:$0x7B2] =	sst s0;
	s0 =	sshrl.u32 s7, $0x3  }
0x183: {  	s1 =	sshrl.u32 s5, $0x3;
	s5 =	sadd.s32 $0x1580, s18;
	[smem:$0x7B3] =	sst s0  }
0x184: {  	s7 =	sadd.s32 $0x10680, s15;
	s0 =	sshrl.u32 s10, $0x3;
	[smem:$0x7BB] =	sst s1  }
0x185: {  	s1 =	sshrl.u32 s6, $0x3;
	s10 =	sadd.s32 $0x1600, s18;
	[smem:$0x7B4] =	sst s0  }
0x186: {  	s6 =	sadd.s32 $0x1800, s18;
	s0 =	sshrl.u32 s19, $0x3;
	[smem:$0x7BC] =	sst s1  }
0x187: {  	s1 =	sshrl.u32 s7, $0x3;
	s7 =	sadd.s32 $0x1700, s18;
	[smem:$0x7B5] =	sst s0  }
0x188: {  	s19 =	sadd.s32 $0x18000, s15;
	s0 =	sshrl.u32 s21, $0x3;
	[smem:$0x7BD] =	sst s1  }
0x189: {  	s1 =	sshrl.u32 s8, $0x3;
	s8 =	sadd.s32 $0x1780, s18;
	[smem:$0x7B6] =	sst s0  }
0x18a: {  	s21 =	sadd.s32 $0x18100, s15;
	s0 =	sshrl.u32 s23, $0x3;
	[smem:$0x7BE] =	sst s1  }
0x18b: {  	s1 =	sshrl.u32 s17, $0x3;
	s23 =	sadd.s32 $0x18200, s15;
	[smem:$0x7B7] =	sst s0  }
0x18c: {  	s0 =	sshrl.u32 s25, $0x3;
	[smem:$0x7BF] =	sst s1;
	s1 =	sshrl.u32 s19, $0x3  }
0x18d: {  	s19 =	sadd.s32 $0x1880, s18;
	s17 =	sshrl.u32 s23, $0x3;
	[smem:$0x7B8] =	sst s0  }
0x18e: {  	s25 =	sadd.s32 $0x18300, s15;
	s23 =	sadd.s32 $0x18400, s15;
	[smem:$0x7C0] =	sst s1  }
0x18f: {  	s0 =	sshrl.u32 s2, $0x3;
	s2 =	sadd.s32 $0x1500, s18;
	[smem:$0x7C4] =	sst s17  }
0x190: {  	s1 =	sshrl.u32 s20, $0x3;
	s17 =	sshrl.u32 s24, $0x3;
	[smem:$0x7B9] =	sst s0  }
0x191: {  	s20 =	sadd.s32 $0x1B00, s18;
	s24 =	sadd.s32 $0x1A80, s18;
	[smem:$0x7C1] =	sst s1  }
0x192: {  	s0 =	sadd.s32 $0x1480, s18;
	s1 =	sshrl.u32 s21, $0x3;
	[smem:$0x7C5] =	sst s17  }
0x193: {  	s21 =	sadd.s32 $0x1A00, s18;
	s17 =	sshrl.u32 s25, $0x3;
	[smem:$0x7C2] =	sst s1  }
0x194: {  	s25 =	sadd.s32 $0x18480, s15;
	s1 =	sshrl.u32 s22, $0x3;
	[smem:$0x7C6] =	sst s17  }
0x195: {  	s22 =	sadd.s32 $0x1B80, s18;
	s17 =	sshrl.u32 s26, $0x3;
	[smem:$0x7C3] =	sst s1  }
0x196: {  	s26 =	sadd.s32 $0x18500, s15;
	[smem:$0x7C7] =	sst s17;
	s17 =	sshrl.u32 s23, $0x3  }
0x197: {  	s23 =	sshrl.u32 s25, $0x3;
	s25 =	sshrl.u32 s26, $0x3;
	[smem:$0x7C8] =	sst s17  }
.Ltmp0:
0x198: {  	s26 =	sadd.s32 $0x18580, s15;
	[smem:$0x7C9] =	sst s23;
	(pc) =	sbr.rel @p0 .LBB2_2-.Ltmp0, $4  }
0x199: {  	s1 =	sadd.s32 $0x1980, s18;
	[smem:$0x7CA] =	sst s25;
	s25 =	sshrl.u32 s26, $0x3  }
0x19a: {  	s17 =	sadd.s32 $0x1C80, s18;
	[smem:$0x7CB] =	sst s25;
	s25 =	sadd.s32 $0x18600, s15  }
0x19b: {  	s23 =	sadd.s32 $0x1D00, s18;
	s26 =	sadd.s32 $0x1D80, s18;
	s25 =	sshrl.u32 s25, $0x3  }
0x19c: {  	s15 =	sadd.s32 $0x1F80, s18;
	[smem:$0x7CC] =	sst s25;
	s25 =	sadd.s32 $0x1E80, s18  }
0x19d: {  	s9 =	sld [smem:$0x7CD];
	_ =	sdelay $0x2  }
0x19e: {  	[hbm:s18@s13], [sflag:s11] =	dma.strided [spmem:s9@s14], $0x80, s12, $0x10   }
0x19f: {  	s16 =	sld [smem:$0x7D0];
	_ =	sdelay $0x1  }
0x1a0: {  	s9 =	rddreg [dreg:$0x6]  }
0x1a1: {  	[hbm:s16@s13], [sflag:s11] =	dma.strided [spmem:s9@s14], $0x80, s12, $0x10   }
0x1a2: {  	s16 =	sld [smem:$0x7D2];
	_ =	sdelay $0x1  }
0x1a3: {  	s9 =	rddreg [dreg:$0x7]  }
0x1a4: {  	[hbm:s16@s13], [sflag:s11] =	dma.strided [spmem:s9@s14], $0x80, s12, $0x10   }
0x1a5: {  	s16 =	sld [smem:$0x7D1];
	_ =	sdelay $0x1  }
0x1a6: {  	s9 =	rddreg [dreg:$0x8]  }
0x1a7: {  	[hbm:s16@s13], [sflag:s11] =	dma.strided [spmem:s9@s14], $0x80, s12, $0x10   }
0x1a8: {  	s16 =	sld [smem:$0x7D4];
	_ =	sdelay $0x1  }
0x1a9: {  	s9 =	rddreg [dreg:$0x9]  }
0x1aa: {  	[hbm:s16@s13], [sflag:s11] =	dma.strided [spmem:s9@s14], $0x80, s12, $0x10   }
0x1ab: {  	s16 =	sld [smem:$0x7D3];
	_ =	sdelay $0x1  }
0x1ac: {  	s9 =	rddreg [dreg:$0xa]  }
0x1ad: {  	[hbm:s16@s13], [sflag:s11] =	dma.strided [spmem:s9@s14], $0x80, s12, $0x10   }
0x1ae: {  	s16 =	sld [smem:$0x7D5];
	_ =	sdelay $0x1  }
0x1af: {  	s9 =	rddreg [dreg:$0xb]  }
0x1b0: {  	[hbm:s16@s13], [sflag:s11] =	dma.strided [spmem:s9@s14], $0x80, s12, $0x10   }
0x1b1: {  	s16 =	sld [smem:$0x7D8];
	_ =	sdelay $0x1  }
0x1b2: {  	s9 =	rddreg [dreg:$0xc]  }
0x1b3: {  	[hbm:s16@s13], [sflag:s11] =	dma.strided [spmem:s9@s14], $0x80, s12, $0x10   }
0x1b4: {  	s16 =	sld [smem:$0x7D6];
	_ =	sdelay $0x1  }
0x1b5: {  	s9 =	rddreg [dreg:$0xd]  }
0x1b6: {  	[hbm:s16@s13], [sflag:s11] =	dma.strided [spmem:s9@s14], $0x80, s12, $0x10   }
0x1b7: {  	s16 =	sld [smem:$0x7D7];
	_ =	sdelay $0x1  }
0x1b8: {  	s9 =	rddreg [dreg:$0xe]  }
0x1b9: {  	[hbm:s16@s13], [sflag:s11] =	dma.strided [spmem:s9@s14], $0x80, s12, $0x10   }
0x1ba: {  	s16 =	sld [smem:$0x7D9];
	_ =	sdelay $0x1  }
0x1bb: {  	s9 =	rddreg [dreg:$0xf]  }
0x1bc: {  	[hbm:s16@s13], [sflag:s11] =	dma.strided [spmem:s9@s14], $0x80, s12, $0x10   }
0x1bd: {  	s16 =	sld [smem:$0x7DC];
	_ =	sdelay $0x1  }
0x1be: {  	s9 =	rddreg [dreg:$0x10]  }
0x1bf: {  	[hbm:s16@s13], [sflag:s11] =	dma.strided [spmem:s9@s14], $0x80, s12, $0x10   }
0x1c0: {  	s16 =	sld [smem:$0x7DA];
	_ =	sdelay $0x1  }
0x1c1: {  	s9 =	rddreg [dreg:$0x11]  }
0x1c2: {  	[hbm:s16@s13], [sflag:s11] =	dma.strided [spmem:s9@s14], $0x80, s12, $0x10   }
0x1c3: {  	s16 =	sld [smem:$0x7DB];
	_ =	sdelay $0x1  }
0x1c4: {  	s9 =	rddreg [dreg:$0x12]  }
0x1c5: {  	[hbm:s16@s13], [sflag:s11] =	dma.strided [spmem:s9@s14], $0x80, s12, $0x10   }
0x1c6: {  	s16 =	sld [smem:$0x7DD];
	_ =	sdelay $0x1  }
0x1c7: {  	s9 =	rddreg [dreg:$0x13]  }
0x1c8: {  	[hbm:s16@s13], [sflag:s11] =	dma.strided [spmem:s9@s14], $0x80, s12, $0x10   }
0x1c9: {  	s16 =	sld [smem:$0x7DE];
	_ =	sdelay $0x1  }
0x1ca: {  	s9 =	rddreg [dreg:$0x14]  }
0x1cb: {  	[hbm:s16@s13], [sflag:s11] =	dma.strided [spmem:s9@s14], $0x80, s12, $0x10   }
0x1cc: {  	s16 =	sld [smem:$0x7DF];
	_ =	sdelay $0x1  }
0x1cd: {  	s9 =	rddreg [dreg:$0x15]  }
0x1ce: {  	[hbm:s16@s13], [sflag:s11] =	dma.strided [spmem:s9@s14], $0x80, s12, $0x10   }
0x1cf: {  	s16 =	sld [smem:$0x7E0];
	_ =	sdelay $0x1  }
0x1d0: {  	s9 =	rddreg [dreg:$0x16]  }
0x1d1: {  	[hbm:s16@s13], [sflag:s11] =	dma.strided [spmem:s9@s14], $0x80, s12, $0x10   }
0x1d2: {  	s16 =	sld [smem:$0x7E1];
	_ =	sdelay $0x1  }
0x1d3: {  	s9 =	rddreg [dreg:$0x17]  }
0x1d4: {  	[hbm:s16@s13], [sflag:s11] =	dma.strided [spmem:s9@s14], $0x80, s12, $0x10   }
0x1d5: {  	s16 =	sld [smem:$0x7E4];
	_ =	sdelay $0x1  }
0x1d6: {  	s9 =	rddreg [dreg:$0x18]  }
0x1d7: {  	[hbm:s16@s13], [sflag:s11] =	dma.strided [spmem:s9@s14], $0x80, s12, $0x10   }
0x1d8: {  	s16 =	sld [smem:$0x7E2];
	_ =	sdelay $0x1  }
0x1d9: {  	s9 =	rddreg [dreg:$0x19]  }
0x1da: {  	[hbm:s16@s13], [sflag:s11] =	dma.strided [spmem:s9@s14], $0x80, s12, $0x10   }
0x1db: {  	s16 =	sld [smem:$0x7E3];
	_ =	sdelay $0x1  }
0x1dc: {  	s9 =	rddreg [dreg:$0x1a]  }
0x1dd: {  	[hbm:s16@s13], [sflag:s11] =	dma.strided [spmem:s9@s14], $0x80, s12, $0x10   }
0x1de: {  	s16 =	sld [smem:$0x7E5];
	_ =	sdelay $0x1  }
0x1df: {  	s9 =	rddreg [dreg:$0x1b]  }
0x1e0: {  	[hbm:s16@s13], [sflag:s11] =	dma.strided [spmem:s9@s14], $0x80, s12, $0x10   }
0x1e1: {  	s16 =	sld [smem:$0x7E6];
	_ =	sdelay $0x1  }
0x1e2: {  	s9 =	rddreg [dreg:$0x1c]  }
0x1e3: {  	[hbm:s16@s13], [sflag:s11] =	dma.strided [spmem:s9@s14], $0x80, s12, $0x10   }
0x1e4: {  	s16 =	sld [smem:$0x7E7];
	_ =	sdelay $0x1  }
0x1e5: {  	s9 =	rddreg [dreg:$0x1d]  }
0x1e6: {  	[hbm:s16@s13], [sflag:s11] =	dma.strided [spmem:s9@s14], $0x80, s12, $0x10   }
0x1e7: {  	s16 =	sld [smem:$0x7E8];
	_ =	sdelay $0x1  }
0x1e8: {  	s9 =	rddreg [dreg:$0x1e]  }
0x1e9: {  	[hbm:s16@s13], [sflag:s11] =	dma.strided [spmem:s9@s14], $0x80, s12, $0x10   }
0x1ea: {  	s16 =	sld [smem:$0x7E9];
	_ =	sdelay $0x1  }
0x1eb: {  	s9 =	rddreg [dreg:$0x1f]  }
0x1ec: {  	[hbm:s16@s13], [sflag:s11] =	dma.strided [spmem:s9@s14], $0x80, s12, $0x10   }
0x1ed: {  	s9 =	sld [smem:$0x7AB]  }
0x1ee: {  	s16 =	sld [smem:$0x7EC];
	_ =	sdelay $0x2  }
0x1ef: {  	[hbm:s16@s13], [sflag:s11] =	dma.strided [spmem:s9@s14], $0x80, s12, $0x10   }
0x1f0: {  	s9 =	sld [smem:$0x7AC]  }
0x1f1: {  	s16 =	sld [smem:$0x7EA];
	_ =	sdelay $0x2  }
0x1f2: {  	[hbm:s16@s13], [sflag:s11] =	dma.strided [spmem:s9@s14], $0x80, s12, $0x10   }
0x1f3: {  	s9 =	sld [smem:$0x7AD]  }
0x1f4: {  	s16 =	sld [smem:$0x7EB];
	_ =	sdelay $0x2  }
0x1f5: {  	[hbm:s16@s13], [sflag:s11] =	dma.strided [spmem:s9@s14], $0x80, s12, $0x10   }
0x1f6: {  	s9 =	sld [smem:$0x7AE]  }
0x1f7: {  	s16 =	sld [smem:$0x7ED];
	_ =	sdelay $0x2  }
0x1f8: {  	[hbm:s16@s13], [sflag:s11] =	dma.strided [spmem:s9@s14], $0x80, s12, $0x10   }
0x1f9: {  	s9 =	sld [smem:$0x7AF]  }
0x1fa: {  	s16 =	sld [smem:$0x7EE];
	_ =	sdelay $0x2  }
0x1fb: {  	[hbm:s16@s13], [sflag:s11] =	dma.strided [spmem:s9@s14], $0x80, s12, $0x10   }
0x1fc: {  	s9 =	sld [smem:$0x7B0]  }
0x1fd: {  	s16 =	sld [smem:$0x7EF];
	_ =	sdelay $0x2  }
0x1fe: {  	[hbm:s16@s13], [sflag:s11] =	dma.strided [spmem:s9@s14], $0x80, s12, $0x10   }
0x1ff: {  	s9 =	sld [smem:$0x7B1]  }
0x200: {  	s16 =	sld [smem:$0x7F0];
	_ =	sdelay $0x2  }
0x201: {  	[hbm:s16@s13], [sflag:s11] =	dma.strided [spmem:s9@s14], $0x80, s12, $0x10   }
0x202: {  	s9 =	sld [smem:$0x7B2]  }
0x203: {  	s16 =	sld [smem:$0x7F1];
	_ =	sdelay $0x2  }
0x204: {  	[hbm:s16@s13], [sflag:s11] =	dma.strided [spmem:s9@s14], $0x80, s12, $0x10   }
0x205: {  	s9 =	sld [smem:$0x7B3]  }
0x206: {  	s16 =	sld [smem:$0x7F2];
	_ =	sdelay $0x2  }
0x207: {  	[hbm:s16@s13], [sflag:s11] =	dma.strided [spmem:s9@s14], $0x80, s12, $0x10   }
0x208: {  	s9 =	sld [smem:$0x7B4]  }
0x209: {  	s16 =	sld [smem:$0x7F3];
	_ =	sdelay $0x2  }
0x20a: {  	[hbm:s16@s13], [sflag:s11] =	dma.strided [spmem:s9@s14], $0x80, s12, $0x10   }
0x20b: {  	s9 =	sld [smem:$0x7B5]  }
0x20c: {  	s16 =	sld [smem:$0x7F4];
	_ =	sdelay $0x2  }
0x20d: {  	[hbm:s16@s13], [sflag:s11] =	dma.strided [spmem:s9@s14], $0x80, s12, $0x10   }
0x20e: {  	s9 =	sld [smem:$0x7B6]  }
0x20f: {  	s16 =	sld [smem:$0x7F5];
	_ =	sdelay $0x2  }
0x210: {  	[hbm:s16@s13], [sflag:s11] =	dma.strided [spmem:s9@s14], $0x80, s12, $0x10   }
0x211: {  	s9 =	sld [smem:$0x7B7]  }
0x212: {  	s16 =	sld [smem:$0x7F6];
	_ =	sdelay $0x2  }
0x213: {  	[hbm:s16@s13], [sflag:s11] =	dma.strided [spmem:s9@s14], $0x80, s12, $0x10   }
0x214: {  	s9 =	sld [smem:$0x7B8]  }
0x215: {  	s16 =	sld [smem:$0x7F7];
	_ =	sdelay $0x2  }
0x216: {  	[hbm:s16@s13], [sflag:s11] =	dma.strided [spmem:s9@s14], $0x80, s12, $0x10   }
0x217: {  	s9 =	sld [smem:$0x7B9];
	_ =	sdelay $0x2  }
0x218: {  	[hbm:s0@s13], [sflag:s11] =	dma.strided [spmem:s9@s14], $0x80, s12, $0x10   }
0x219: {  	s0 =	sld [smem:$0x7BA];
	_ =	sdelay $0x2  }
0x21a: {  	[hbm:s2@s13], [sflag:s11] =	dma.strided [spmem:s0@s14], $0x80, s12, $0x10   }
0x21b: {  	s0 =	sld [smem:$0x7BB];
	_ =	sdelay $0x2  }
0x21c: {  	[hbm:s5@s13], [sflag:s11] =	dma.strided [spmem:s0@s14], $0x80, s12, $0x10   }
0x21d: {  	s0 =	sld [smem:$0x7BC];
	_ =	sdelay $0x2  }
0x21e: {  	[hbm:s10@s13], [sflag:s11] =	dma.strided [spmem:s0@s14], $0x80, s12, $0x10   }
0x21f: {  	s0 =	sld [smem:$0x7BD];
	_ =	sdelay $0x2  }
0x220: {  	[hbm:s4@s13], [sflag:s11] =	dma.strided [spmem:s0@s14], $0x80, s12, $0x10   }
0x221: {  	s0 =	sld [smem:$0x7BE];
	_ =	sdelay $0x2  }
0x222: {  	[hbm:s7@s13], [sflag:s11] =	dma.strided [spmem:s0@s14], $0x80, s12, $0x10   }
0x223: {  	s0 =	sld [smem:$0x7BF];
	_ =	sdelay $0x2  }
0x224: {  	[hbm:s8@s13], [sflag:s11] =	dma.strided [spmem:s0@s14], $0x80, s12, $0x10   }
0x225: {  	s0 =	sld [smem:$0x7C0];
	_ =	sdelay $0x2  }
0x226: {  	[hbm:s6@s13], [sflag:s11] =	dma.strided [spmem:s0@s14], $0x80, s12, $0x10   }
0x227: {  	s0 =	sld [smem:$0x7C1];
	_ =	sdelay $0x2  }
0x228: {  	[hbm:s19@s13], [sflag:s11] =	dma.strided [spmem:s0@s14], $0x80, s12, $0x10   }
0x229: {  	s0 =	sld [smem:$0x7C2];
	_ =	sdelay $0x2  }
0x22a: {  	[hbm:s3@s13], [sflag:s11] =	dma.strided [spmem:s0@s14], $0x80, s12, $0x10   }
0x22b: {  	s0 =	sld [smem:$0x7C3];
	_ =	sdelay $0x2  }
0x22c: {  	[hbm:s1@s13], [sflag:s11] =	dma.strided [spmem:s0@s14], $0x80, s12, $0x10   }
0x22d: {  	s0 =	sld [smem:$0x7C4];
	_ =	sdelay $0x2  }
0x22e: {  	[hbm:s21@s13], [sflag:s11] =	dma.strided [spmem:s0@s14], $0x80, s12, $0x10   }
0x22f: {  	s0 =	sld [smem:$0x7C5];
	_ =	sdelay $0x2  }
0x230: {  	[hbm:s24@s13], [sflag:s11] =	dma.strided [spmem:s0@s14], $0x80, s12, $0x10   }
0x231: {  	s0 =	sld [smem:$0x7C6];
	_ =	sdelay $0x2  }
0x232: {  	[hbm:s20@s13], [sflag:s11] =	dma.strided [spmem:s0@s14], $0x80, s12, $0x10   }
0x233: {  	s0 =	sld [smem:$0x7C7];
	_ =	sdelay $0x2  }
0x234: {  	[hbm:s22@s13], [sflag:s11] =	dma.strided [spmem:s0@s14], $0x80, s12, $0x10   }
0x235: {  	s0 =	sld [smem:$0x7C8];
	_ =	sdelay $0x2  }
0x236: {  	[hbm:s29@s13], [sflag:s11] =	dma.strided [spmem:s0@s14], $0x80, s12, $0x10   }
0x237: {  	s0 =	sld [smem:$0x7C9];
	_ =	sdelay $0x2  }
0x238: {  	[hbm:s17@s13], [sflag:s11] =	dma.strided [spmem:s0@s14], $0x80, s12, $0x10   }
0x239: {  	s0 =	sld [smem:$0x7CA];
	_ =	sdelay $0x2  }
0x23a: {  	[hbm:s23@s13], [sflag:s11] =	dma.strided [spmem:s0@s14], $0x80, s12, $0x10   }
0x23b: {  	s0 =	sld [smem:$0x7CB];
	_ =	sdelay $0x2  }
0x23c: {  	[hbm:s26@s13], [sflag:s11] =	dma.strided [spmem:s0@s14], $0x80, s12, $0x10   }
0x23d: {  	s0 =	sld [smem:$0x7CC];
	_ =	sdelay $0x2  }
0x23e: {  	[hbm:s31@s13], [sflag:s11] =	dma.strided [spmem:s0@s14], $0x80, s12, $0x10   }
0x23f: {  	s0 =	sld [smem:$0x7CE];
	_ =	sdelay $0x2  }
0x240: {  	[hbm:s25@s13], [sflag:s11] =	dma.strided [spmem:s0@s14], $0x80, s12, $0x10   }
0x241: {  	s0 =	sld [smem:$0x7CF];
	_ =	sdelay $0x2  }
0x242: {  	[hbm:s28@s13], [sflag:s11] =	dma.strided [spmem:s0@s14], $0x80, s12, $0x10   }
0x243: {  	[hbm:s15@s13], [sflag:s11] =	dma.strided [spmem:s30@s14], $0x80, s12, $0x10   }
0x244: {  	_ =	swait.ge [sflag:s12], $0x80  }
0x245: {  	s0 =	simm.s32 $0xFFF;
	[sflag:s12] =	ssyncset.done $0x0  }
.LBB2_4:
0x246: {  	p0 =	sne.s32 s0, $0x1;
	s0 =	sadd.s32 $0xFFFFFFFF, s0;
	[sflag:s12] =	ssyncadd.s32 $0xFFFFFF80  }
.Ltmp1:
0x247: {  	(pc) =	sbr.rel @p0 .LBB2_4-.Ltmp1, $3  }
0x248: {  	_ =	sdelay $0x1  }
0x249: {  	_ =	swait.ge [sflag:s12], $0x80  }
0x24a: {  	[sflag:s12] =	ssyncset.done $0x0  }
0x24b: {  	s8 =	sld [smem:$0x7AA]  }
0x24c: {  	s0 =	sld [smem:$0x7FA];
	_ =	sdelay $0x1  }
0x24d: {  	s8 =	sadd.s32 $0x1, s8  }
0x24e: {  	p0 =	sne.s32 s8, s0  }
.Ltmp2:
0x24f: {  	_ = 	snop;
	(pc) =	sbr.rel @p0 .LBB2_1-.Ltmp2, $2  }
0x250: {  	_ =	sdelay $0x2  }
0x251: {  	[sflag:s12] =	ssyncadd.s32 $0xFFFFFF80  }
0x252: {  	_ =	sfence.sel $0x180000  }
0x253: {  	[bflag:$0x0] =	sbarrier.arrive $0xFFFF  }
0x254: {  	_ =	strace $0x90000047  }
0x255: {  	s0 =	stileid.u32;
	[bflag:$0x2] =	sbarrier.arrive $0xFFFF  }
0x256: {  	p0 =	sne.s32 s0, $0x0;
	s0 =	rddreg [dreg:$0x3]  }
0x257: {  	s0 =	sadd.s32 @!p0 $0x100000, s0  }
0x258: {  	[sflag:s0] =	ssyncadd.tile.s32 @!p0 $0x1;
	_ =	shalt  }
.Lfunc_end2:
_tile_overlayer_lowered:
.L_overlay_start_2:
0x259: {  	(tag) =	ssettag $0x2  }
0x25a: {  	s0 =	rddreg [dreg:$0x0];
	s2 =	stileid.u32  }
0x25b: {  	s1 =	rddreg [dreg:$0x1];
	p0 =	sne.s32 s2, $0x0  }
0x25c: {  	s3 =	rddreg [dreg:$0x2];
	[bflag:$0x3] =	sbarrier.arrive $0xFFFF;
	s2 =	simm.s32 @!p0 $0x1C02  }
0x25d: {  	[timem:s3], [sflag:s2] =	dma.local @!p0 [hbm:s0], s1  }
0x25e: {  	s0 =	simm.s32 @!p0 $0x2  }
0x25f: {  	_ =	swait.ge @!p0 [sflag:s0], s1  }
0x260: {  	s1 =	ssub.s32 @!p0 $0x0, s1;
	[sflag:s0] =	ssyncset.done @!p0 $0x0  }
0x261: {  	[sflag:s0] =	ssyncadd.s32 @!p0 s1  }
0x262: {  	[bflag:$0x3] =	sbarrier.arrive $0xFFFF  }
0x263: {  	_ =	shalt  }

</sc_bundles>
